<compile_context>
chip_gen: v7x
topology: tpu7x:2x2x1
jax: 0.10.2.dev20260603
libtpu: 0.0.44.dev20260713+nightly
codegen_flags: <defaults>
</compile_context>

<pallas_src>
import functools

import jax
import jax.numpy as jnp
from jax import lax
from jax.experimental import pallas as pl
from jax.experimental.pallas import tpu as pltpu
from jax.experimental.pallas import tpu_sc as plsc

EMBED_DIM = 64
NUM_EMB_ROWS = 144
NUM_CORES = 2
NUM_SUBCORES = 16
NUM_WORKERS = NUM_CORES * NUM_SUBCORES

CHUNK = 512
IDX_PER_STREAM = 128
NBUF = 2


@jax.jit
def _run(idx_flat, table):
    n = idx_flat.shape[0]
    per_w = n // NUM_WORKERS
    steps = per_w // CHUNK
    assert steps % NBUF == 0

    mesh = plsc.VectorSubcoreMesh(
        core_axis_name="c", subcore_axis_name="s",
        num_cores=NUM_CORES, num_subcores=NUM_SUBCORES)

    @functools.partial(
        pl.kernel,
        out_type=jax.ShapeDtypeStruct((n, EMBED_DIM), jnp.float32),
        mesh=mesh,
        scratch_types=[
            pltpu.VMEM((NBUF, CHUNK), jnp.int32),
            pltpu.VMEM((NBUF, CHUNK, EMBED_DIM), jnp.float32),
            pltpu.VMEM_SHARED((NUM_EMB_ROWS, EMBED_DIM), jnp.float32),
            [pltpu.SemaphoreType.DMA] * NBUF,
            [pltpu.SemaphoreType.DMA] * NBUF,
            pltpu.SemaphoreType.DMA,
        ],
        compiler_params=pltpu.CompilerParams(use_tc_tiling_on_sc=False),
    )
    def k(idx_hbm, table_hbm, out_hbm, idx_v, rows_v, table_v,
          sem_idx, sem_out, sem_g):
        sid = lax.axis_index("s")
        wid = sid * NUM_CORES + lax.axis_index("c")
        base = wid * per_w

        @pl.when(sid == 0)
        def _stage_table():
            pltpu.sync_copy(table_hbm, table_v)

        plsc.subcore_barrier()

        def idx_copy(step, b):
            return pltpu.make_async_copy(
                idx_hbm.at[pl.ds(base + step * CHUNK, CHUNK)],
                idx_v.at[b], sem_idx[b])

        def out_copy(step, b):
            return pltpu.make_async_copy(
                rows_v.at[b],
                out_hbm.at[pl.ds(base + step * CHUNK, CHUNK)],
                sem_out[b])

        for b in range(NBUF):
            idx_copy(b, b).start()

        def body(g, _):
            for b in range(NBUF):
                step = g * NBUF + b
                idx_copy(step, b).wait()
                @pl.when(g > 0)
                def _drain_prev():
                    out_copy(step - NBUF, b).wait()
                copies = []
                for j in range(CHUNK // IDX_PER_STREAM):
                    sl = pl.ds(j * IDX_PER_STREAM, IDX_PER_STREAM)
                    copies.append(pltpu.async_copy(
                        table_v.at[idx_v.at[b].at[sl]],
                        rows_v.at[b].at[sl], sem_g))
                for c in copies:
                    c.wait()
                @pl.when(step + NBUF < steps)
                def _prefetch():
                    idx_copy(step + NBUF, b).start()
                out_copy(step, b).start()
            return _

        lax.fori_loop(0, steps // NBUF, body, 0)
        for b in range(NBUF):
            out_copy(steps - NBUF + b, b).wait()

    return k(idx_flat, table)


def kernel(channel_indices, table):
    b, f = channel_indices.shape
    idx_flat = channel_indices.reshape(b * f).astype(jnp.int32)
    out = _run(idx_flat, table)
    return out.reshape(b, f, EMBED_DIM)

# --- scband reference (transcript-rebuilt; emitter-appended) ---
"""Pipeline reference for scband-channel-positional-embed-12876311953671 (READ-ONLY COPY).

The authoritative reference and input builder live on the scoring server;
editing this copy changes nothing except your own understanding.
"""

import jax, jax.numpy as jnp
import numpy as np

EMBED_DIM = 64
NUM_EMB = 144

def setup_inputs(seed: int = 0) -> dict:
    key = jax.random.key(seed)
    k1, k2 = jax.random.split(key)
    channel_indices = jax.random.randint(k1, (16384, 100), 0, NUM_EMB, dtype=jnp.int64) if jax.config.read('jax_enable_x64') else jax.random.randint(k1, (16384, 100), 0, NUM_EMB, dtype=jnp.int32)
    table = jax.random.normal(k2, (NUM_EMB, EMBED_DIM), dtype=jnp.float32)
    return {"channel_indices": channel_indices, "table": table}

def reference(channel_indices, table):
    # nn.Embedding lookup: out[b, f, :] = table[channel_indices[b, f], :]
    channel_embeddings = jnp.take(table, channel_indices, axis=0)
    return channel_embeddings

if __name__ == "__main__":
    import jax
    _d = setup_inputs()
    print(jax.jit(kernel)(*tuple(_d.values())))

</pallas_src>

<mosaic_0001>
#map = affine_map<(d0, d1) -> (0)>
#map1 = affine_map<(d0, d1) -> (0, 0)>
module attributes {stable_mosaic.version = 14 : i64} {
  func.func @k(%arg0: i32, %arg1: i32, %arg2: memref<1638400xi32, #tpu.memory_space<hbm>>, %arg3: memref<144x64xf32, #tpu.memory_space<hbm>>, %arg4: memref<1638400x64xf32, #tpu.memory_space<hbm>>, %arg5: memref<2x512xi32, #tpu.memory_space<vmem>>, %arg6: memref<2x512x64xf32, #tpu.memory_space<vmem>>, %arg7: memref<144x64xf32, #tpu.memory_space<vmem_shared>>, %arg8: memref<!tpu.dma_semaphore, #tpu.memory_space<semaphore_mem>>, %arg9: memref<!tpu.dma_semaphore, #tpu.memory_space<semaphore_mem>>, %arg10: memref<!tpu.dma_semaphore, #tpu.memory_space<semaphore_mem>>, %arg11: memref<!tpu.dma_semaphore, #tpu.memory_space<semaphore_mem>>, %arg12: memref<!tpu.dma_semaphore, #tpu.memory_space<semaphore_mem>>) attributes {dimension_semantics = [#tpu.dimension_semantics<core_parallel>, #tpu.dimension_semantics<subcore_parallel>], iteration_bounds = array<i64: 2, 16>, scalar_prefetch = 0 : i64, scratch_operands = 8 : i64, tpu.core_type = #tpu.core_type<sc_vector_subcore>, window_params = [{transform_indices = #map}, {transform_indices = #map1}, {transform_indices = #map1}]} {
    %mul3A = arith.constant 2 : i32
    %mul3A_0 = arith.muli %arg1, %mul3A : i32
    %add3A = arith.addi %mul3A_0, %arg0 : i32
    %mul3A_1 = arith.constant 51200 : i32
    %mul3A_2 = arith.muli %add3A, %mul3A_1 : i32
    %eq3A = arith.constant 0 : i32
    %eq3A_3 = arith.cmpi eq, %arg1, %eq3A : i32
    %convert_element_type3A = arith.extui %eq3A_3 : i1 to i32
    %cond3A = arith.constant 0 : i32
    %cond3A_4 = arith.cmpi ne, %convert_element_type3A, %cond3A : i32
    scf.if %cond3A_4 {
      "tpu.region"() ({
        %run_scoped3A = tpu.sem_alloc : memref<!tpu.dma_semaphore, #tpu.memory_space<semaphore_mem>>
        tpu.enqueue_dma source(%arg3 : memref<144x64xf32, #tpu.memory_space<hbm>>) target(%arg7 : memref<144x64xf32, #tpu.memory_space<vmem_shared>>) target_semaphore(%run_scoped3A : memref<!tpu.dma_semaphore, #tpu.memory_space<semaphore_mem>>)
        tpu.wait_dma2 semaphore(%run_scoped3A : memref<!tpu.dma_semaphore, #tpu.memory_space<semaphore_mem>>) src(%arg3 : memref<144x64xf32, #tpu.memory_space<hbm>>) dst(%arg7 : memref<144x64xf32, #tpu.memory_space<vmem_shared>>)
        tpu.yield
      }) : () -> ()
    } else {
    }
    %barrier3A = arith.constant 0 : index
    tpu.barrier barrier_id(%barrier3A)
    %add3A_5 = arith.constant 0 : i32
    %add3A_6 = arith.addi %mul3A_2, %add3A_5 : i32
    %dma_start3A = arith.constant 0 : i32
    %dma_start3A_7 = arith.constant 0 : i32
    %dma_start3A_8 = tpu.memref_slice %arg5[%dma_start3A, %dma_start3A_7] : memref<2x512xi32, #tpu.memory_space<vmem>> -> memref<1x512xi32, #tpu.memory_space<vmem>>
    %dma_start3A_9 = tpu.memref_squeeze %dma_start3A_8 : memref<1x512xi32, #tpu.memory_space<vmem>> -> memref<512xi32, #tpu.memory_space<vmem>>
    %dma_start3A_10 = tpu.memref_slice %arg2[%add3A_6] : memref<1638400xi32, #tpu.memory_space<hbm>> -> memref<512xi32, #tpu.memory_space<hbm>>
    %dma_start3A_11 = arith.constant 0 : i32
    %dma_start3A_12 = tpu.memref_slice %arg5[%dma_start3A, %dma_start3A_11] : memref<2x512xi32, #tpu.memory_space<vmem>> -> memref<1x512xi32, #tpu.memory_space<vmem>>
    %dma_start3A_13 = tpu.memref_squeeze %dma_start3A_12 : memref<1x512xi32, #tpu.memory_space<vmem>> -> memref<512xi32, #tpu.memory_space<vmem>>
    %dma_start3A_14 = tpu.memref_slice %arg2[%add3A_6] : memref<1638400xi32, #tpu.memory_space<hbm>> -> memref<512xi32, #tpu.memory_space<hbm>>
    tpu.enqueue_dma source(%dma_start3A_14 : memref<512xi32, #tpu.memory_space<hbm>>) target(%dma_start3A_13 : memref<512xi32, #tpu.memory_space<vmem>>) target_semaphore(%arg8 : memref<!tpu.dma_semaphore, #tpu.memory_space<semaphore_mem>>)
    %add3A_15 = arith.constant 512 : i32
    %add3A_16 = arith.addi %mul3A_2, %add3A_15 : i32
    %dma_start3A_17 = arith.constant 1 : i32
    %dma_start3A_18 = arith.constant 0 : i32
    %dma_start3A_19 = tpu.memref_slice %arg5[%dma_start3A_17, %dma_start3A_18] : memref<2x512xi32, #tpu.memory_space<vmem>> -> memref<1x512xi32, #tpu.memory_space<vmem>>
    %dma_start3A_20 = tpu.memref_squeeze %dma_start3A_19 : memref<1x512xi32, #tpu.memory_space<vmem>> -> memref<512xi32, #tpu.memory_space<vmem>>
    %dma_start3A_21 = tpu.memref_slice %arg2[%add3A_16] : memref<1638400xi32, #tpu.memory_space<hbm>> -> memref<512xi32, #tpu.memory_space<hbm>>
    %dma_start3A_22 = arith.constant 0 : i32
    %dma_start3A_23 = tpu.memref_slice %arg5[%dma_start3A_17, %dma_start3A_22] : memref<2x512xi32, #tpu.memory_space<vmem>> -> memref<1x512xi32, #tpu.memory_space<vmem>>
    %dma_start3A_24 = tpu.memref_squeeze %dma_start3A_23 : memref<1x512xi32, #tpu.memory_space<vmem>> -> memref<512xi32, #tpu.memory_space<vmem>>
    %dma_start3A_25 = tpu.memref_slice %arg2[%add3A_16] : memref<1638400xi32, #tpu.memory_space<hbm>> -> memref<512xi32, #tpu.memory_space<hbm>>
    tpu.enqueue_dma source(%dma_start3A_25 : memref<512xi32, #tpu.memory_space<hbm>>) target(%dma_start3A_24 : memref<512xi32, #tpu.memory_space<vmem>>) target_semaphore(%arg9 : memref<!tpu.dma_semaphore, #tpu.memory_space<semaphore_mem>>)
    %scan3A = arith.constant 0 : i32
    %scan3A_26 = arith.constant 0 : i32
    %scan3A_27 = arith.constant 50 : i32
    %scan3A_28 = arith.addi %scan3A_26, %scan3A_27 : i32
    %scan3A_29 = arith.constant 1 : i32
    scf.for %scan3A_60 = %scan3A_26 to %scan3A_28 step %scan3A_29  : i32 {
      %mul3A_61 = arith.constant 2 : i32
      %mul3A_62 = arith.muli %scan3A_60, %mul3A_61 : i32
      %add3A_63 = arith.constant 0 : i32
      %add3A_64 = arith.addi %mul3A_62, %add3A_63 : i32
      %mul3A_65 = arith.constant 512 : i32
      %mul3A_66 = arith.muli %add3A_64, %mul3A_65 : i32
      %add3A_67 = arith.addi %mul3A_2, %mul3A_66 : i32
      %dma_wait3A_68 = arith.constant 0 : i32
      %dma_wait3A_69 = arith.constant 0 : i32
      %dma_wait3A_70 = tpu.memref_slice %arg5[%dma_wait3A_68, %dma_wait3A_69] : memref<2x512xi32, #tpu.memory_space<vmem>> -> memref<1x512xi32, #tpu.memory_space<vmem>>
      %dma_wait3A_71 = tpu.memref_squeeze %dma_wait3A_70 : memref<1x512xi32, #tpu.memory_space<vmem>> -> memref<512xi32, #tpu.memory_space<vmem>>
      %dma_wait3A_72 = tpu.memref_slice %arg2[%add3A_67] : memref<1638400xi32, #tpu.memory_space<hbm>> -> memref<512xi32, #tpu.memory_space<hbm>>
      %dma_wait3A_73 = arith.constant 0 : i32
      %dma_wait3A_74 = tpu.memref_slice %arg5[%dma_wait3A_68, %dma_wait3A_73] : memref<2x512xi32, #tpu.memory_space<vmem>> -> memref<1x512xi32, #tpu.memory_space<vmem>>
      %dma_wait3A_75 = tpu.memref_squeeze %dma_wait3A_74 : memref<1x512xi32, #tpu.memory_space<vmem>> -> memref<512xi32, #tpu.memory_space<vmem>>
      %dma_wait3A_76 = tpu.memref_slice %arg2[%add3A_67] : memref<1638400xi32, #tpu.memory_space<hbm>> -> memref<512xi32, #tpu.memory_space<hbm>>
      tpu.wait_dma2 semaphore(%arg8 : memref<!tpu.dma_semaphore, #tpu.memory_space<semaphore_mem>>) src(%dma_wait3A_76 : memref<512xi32, #tpu.memory_space<hbm>>) dst(%dma_wait3A_75 : memref<512xi32, #tpu.memory_space<vmem>>)
      %gt3A = arith.constant 0 : i32
      %gt3A_77 = arith.cmpi sgt, %scan3A_60, %gt3A : i32
      %convert_element_type3A_78 = arith.extui %gt3A_77 : i1 to i32
      %cond3A_79 = arith.constant 0 : i32
      %cond3A_80 = arith.cmpi ne, %convert_element_type3A_78, %cond3A_79 : i32
      scf.if %cond3A_80 {
        %sub3A = arith.constant 2 : i32
        %sub3A_419 = arith.subi %add3A_64, %sub3A : i32
        %mul3A_420 = arith.constant 512 : i32
        %mul3A_421 = arith.muli %sub3A_419, %mul3A_420 : i32
        %add3A_422 = arith.addi %mul3A_2, %mul3A_421 : i32
        %dma_wait3A_423 = arith.constant 0 : i32
        %dma_wait3A_424 = arith.constant 0 : i32
        %dma_wait3A_425 = arith.constant 0 : i32
        %dma_wait3A_426 = tpu.memref_slice %arg6[%dma_wait3A_423, %dma_wait3A_424, %dma_wait3A_425] : memref<2x512x64xf32, #tpu.memory_space<vmem>> -> memref<1x512x64xf32, #tpu.memory_space<vmem>>
        %dma_wait3A_427 = tpu.memref_squeeze %dma_wait3A_426 : memref<1x512x64xf32, #tpu.memory_space<vmem>> -> memref<512x64xf32, #tpu.memory_space<vmem>>
        %dma_wait3A_428 = arith.constant 0 : i32
        %dma_wait3A_429 = tpu.memref_slice %arg4[%add3A_422, %dma_wait3A_428] : memref<1638400x64xf32, #tpu.memory_space<hbm>> -> memref<512x64xf32, #tpu.memory_space<hbm>>
        %dma_wait3A_430 = arith.constant 0 : i32
        %dma_wait3A_431 = tpu.memref_slice %arg4[%add3A_422, %dma_wait3A_430] : memref<1638400x64xf32, #tpu.memory_space<hbm>> -> memref<512x64xf32, #tpu.memory_space<hbm>>
        %dma_wait3A_432 = arith.constant 0 : i32
        %dma_wait3A_433 = arith.constant 0 : i32
        %dma_wait3A_434 = tpu.memref_slice %arg6[%dma_wait3A_423, %dma_wait3A_432, %dma_wait3A_433] : memref<2x512x64xf32, #tpu.memory_space<vmem>> -> memref<1x512x64xf32, #tpu.memory_space<vmem>>
        %dma_wait3A_435 = tpu.memref_squeeze %dma_wait3A_434 : memref<1x512x64xf32, #tpu.memory_space<vmem>> -> memref<512x64xf32, #tpu.memory_space<vmem>>
        tpu.wait_dma2 semaphore(%arg10 : memref<!tpu.dma_semaphore, #tpu.memory_space<semaphore_mem>>) src(%dma_wait3A_435 : memref<512x64xf32, #tpu.memory_space<vmem>>) dst(%dma_wait3A_431 : memref<512x64xf32, #tpu.memory_space<hbm>>)
      } else {
      }
      %dma_start3A_81 = arith.constant 0 : i32
      %dma_start3A_82 = arith.constant 0 : i32
      %dma_start3A_83 = arith.constant 0 : i32
      %dma_start3A_84 = arith.constant 0 : i32
      %dma_start3A_85 = tpu.memref_slice %arg6[%dma_start3A_82, %dma_start3A_83, %dma_start3A_84] : memref<2x512x64xf32, #tpu.memory_space<vmem>> -> memref<1x512x64xf32, #tpu.memory_space<vmem>>
      %dma_start3A_86 = tpu.memref_squeeze %dma_start3A_85 : memref<1x512x64xf32, #tpu.memory_space<vmem>> -> memref<512x64xf32, #tpu.memory_space<vmem>>
      %dma_start3A_87 = arith.constant 0 : i32
      %dma_start3A_88 = arith.constant 0 : i32
      %dma_start3A_89 = tpu.memref_slice %dma_start3A_86[%dma_start3A_87, %dma_start3A_88] : memref<512x64xf32, #tpu.memory_space<vmem>> -> memref<128x64xf32, #tpu.memory_space<vmem>>
      %dma_start3A_90 = arith.constant 0 : i32
      %dma_start3A_91 = tpu.memref_slice %arg5[%dma_start3A_81, %dma_start3A_90] : memref<2x512xi32, #tpu.memory_space<vmem>> -> memref<1x512xi32, #tpu.memory_space<vmem>>
      %dma_start3A_92 = tpu.memref_squeeze %dma_start3A_91 : memref<1x512xi32, #tpu.memory_space<vmem>> -> memref<512xi32, #tpu.memory_space<vmem>>
      %dma_start3A_93 = arith.constant 0 : i32
      %dma_start3A_94 = tpu.memref_slice %dma_start3A_92[%dma_start3A_93] : memref<512xi32, #tpu.memory_space<vmem>> -> memref<128xi32, #tpu.memory_space<vmem>>
      %dma_start3A_95 = arith.constant 0 : i32
      %dma_start3A_96 = arith.constant 0 : i32
      %dma_start3A_97 = tpu.memref_slice %arg7[%dma_start3A_95, %dma_start3A_96] : memref<144x64xf32, #tpu.memory_space<vmem_shared>> -> memref<144x64xf32, #tpu.memory_space<vmem_shared>>
      tpu.enqueue_indirect_dma source(%dma_start3A_97 : memref<144x64xf32, #tpu.memory_space<vmem_shared>>) target(%dma_start3A_89 : memref<128x64xf32, #tpu.memory_space<vmem>>) offsets(%dma_start3A_94 : memref<128xi32, #tpu.memory_space<vmem>>) semaphore(%arg12 : memref<!tpu.dma_semaphore, #tpu.memory_space<semaphore_mem>>)
      %dma_start3A_98 = arith.constant 0 : i32
      %dma_start3A_99 = arith.constant 0 : i32
      %dma_start3A_100 = arith.constant 0 : i32
      %dma_start3A_101 = arith.constant 0 : i32
      %dma_start3A_102 = tpu.memref_slice %arg6[%dma_start3A_99, %dma_start3A_100, %dma_start3A_101] : memref<2x512x64xf32, #tpu.memory_space<vmem>> -> memref<1x512x64xf32, #tpu.memory_space<vmem>>
      %dma_start3A_103 = tpu.memref_squeeze %dma_start3A_102 : memref<1x512x64xf32, #tpu.memory_space<vmem>> -> memref<512x64xf32, #tpu.memory_space<vmem>>
      %dma_start3A_104 = arith.constant 128 : i32
      %dma_start3A_105 = arith.constant 0 : i32
      %dma_start3A_106 = tpu.memref_slice %dma_start3A_103[%dma_start3A_104, %dma_start3A_105] : memref<512x64xf32, #tpu.memory_space<vmem>> -> memref<128x64xf32, #tpu.memory_space<vmem>>
      %dma_start3A_107 = arith.constant 0 : i32
      %dma_start3A_108 = tpu.memref_slice %arg5[%dma_start3A_98, %dma_start3A_107] : memref<2x512xi32, #tpu.memory_space<vmem>> -> memref<1x512xi32, #tpu.memory_space<vmem>>
      %dma_start3A_109 = tpu.memref_squeeze %dma_start3A_108 : memref<1x512xi32, #tpu.memory_space<vmem>> -> memref<512xi32, #tpu.memory_space<vmem>>
      %dma_start3A_110 = arith.constant 128 : i32
      %dma_start3A_111 = tpu.memref_slice %dma_start3A_109[%dma_start3A_110] : memref<512xi32, #tpu.memory_space<vmem>> -> memref<128xi32, #tpu.memory_space<vmem>>
      %dma_start3A_112 = arith.constant 0 : i32
      %dma_start3A_113 = arith.constant 0 : i32
      %dma_start3A_114 = tpu.memref_slice %arg7[%dma_start3A_112, %dma_start3A_113] : memref<144x64xf32, #tpu.memory_space<vmem_shared>> -> memref<144x64xf32, #tpu.memory_space<vmem_shared>>
      tpu.enqueue_indirect_dma source(%dma_start3A_114 : memref<144x64xf32, #tpu.memory_space<vmem_shared>>) target(%dma_start3A_106 : memref<128x64xf32, #tpu.memory_space<vmem>>) offsets(%dma_start3A_111 : memref<128xi32, #tpu.memory_space<vmem>>) semaphore(%arg12 : memref<!tpu.dma_semaphore, #tpu.memory_space<semaphore_mem>>)
      %dma_start3A_115 = arith.constant 0 : i32
      %dma_start3A_116 = arith.constant 0 : i32
      %dma_start3A_117 = arith.constant 0 : i32
      %dma_start3A_118 = arith.constant 0 : i32
      %dma_start3A_119 = tpu.memref_slice %arg6[%dma_start3A_116, %dma_start3A_117, %dma_start3A_118] : memref<2x512x64xf32, #tpu.memory_space<vmem>> -> memref<1x512x64xf32, #tpu.memory_space<vmem>>
      %dma_start3A_120 = tpu.memref_squeeze %dma_start3A_119 : memref<1x512x64xf32, #tpu.memory_space<vmem>> -> memref<512x64xf32, #tpu.memory_space<vmem>>
      %dma_start3A_121 = arith.constant 256 : i32
      %dma_start3A_122 = arith.constant 0 : i32
      %dma_start3A_123 = tpu.memref_slice %dma_start3A_120[%dma_start3A_121, %dma_start3A_122] : memref<512x64xf32, #tpu.memory_space<vmem>> -> memref<128x64xf32, #tpu.memory_space<vmem>>
      %dma_start3A_124 = arith.constant 0 : i32
      %dma_start3A_125 = tpu.memref_slice %arg5[%dma_start3A_115, %dma_start3A_124] : memref<2x512xi32, #tpu.memory_space<vmem>> -> memref<1x512xi32, #tpu.memory_space<vmem>>
      %dma_start3A_126 = tpu.memref_squeeze %dma_start3A_125 : memref<1x512xi32, #tpu.memory_space<vmem>> -> memref<512xi32, #tpu.memory_space<vmem>>
      %dma_start3A_127 = arith.constant 256 : i32
      %dma_start3A_128 = tpu.memref_slice %dma_start3A_126[%dma_start3A_127] : memref<512xi32, #tpu.memory_space<vmem>> -> memref<128xi32, #tpu.memory_space<vmem>>
      %dma_start3A_129 = arith.constant 0 : i32
      %dma_start3A_130 = arith.constant 0 : i32
      %dma_start3A_131 = tpu.memref_slice %arg7[%dma_start3A_129, %dma_start3A_130] : memref<144x64xf32, #tpu.memory_space<vmem_shared>> -> memref<144x64xf32, #tpu.memory_space<vmem_shared>>
      tpu.enqueue_indirect_dma source(%dma_start3A_131 : memref<144x64xf32, #tpu.memory_space<vmem_shared>>) target(%dma_start3A_123 : memref<128x64xf32, #tpu.memory_space<vmem>>) offsets(%dma_start3A_128 : memref<128xi32, #tpu.memory_space<vmem>>) semaphore(%arg12 : memref<!tpu.dma_semaphore, #tpu.memory_space<semaphore_mem>>)
      %dma_start3A_132 = arith.constant 0 : i32
      %dma_start3A_133 = arith.constant 0 : i32
      %dma_start3A_134 = arith.constant 0 : i32
      %dma_start3A_135 = arith.constant 0 : i32
      %dma_start3A_136 = tpu.memref_slice %arg6[%dma_start3A_133, %dma_start3A_134, %dma_start3A_135] : memref<2x512x64xf32, #tpu.memory_space<vmem>> -> memref<1x512x64xf32, #tpu.memory_space<vmem>>
      %dma_start3A_137 = tpu.memref_squeeze %dma_start3A_136 : memref<1x512x64xf32, #tpu.memory_space<vmem>> -> memref<512x64xf32, #tpu.memory_space<vmem>>
      %dma_start3A_138 = arith.constant 384 : i32
      %dma_start3A_139 = arith.constant 0 : i32
      %dma_start3A_140 = tpu.memref_slice %dma_start3A_137[%dma_start3A_138, %dma_start3A_139] : memref<512x64xf32, #tpu.memory_space<vmem>> -> memref<128x64xf32, #tpu.memory_space<vmem>>
      %dma_start3A_141 = arith.constant 0 : i32
      %dma_start3A_142 = tpu.memref_slice %arg5[%dma_start3A_132, %dma_start3A_141] : memref<2x512xi32, #tpu.memory_space<vmem>> -> memref<1x512xi32, #tpu.memory_space<vmem>>
      %dma_start3A_143 = tpu.memref_squeeze %dma_start3A_142 : memref<1x512xi32, #tpu.memory_space<vmem>> -> memref<512xi32, #tpu.memory_space<vmem>>
      %dma_start3A_144 = arith.constant 384 : i32
      %dma_start3A_145 = tpu.memref_slice %dma_start3A_143[%dma_start3A_144] : memref<512xi32, #tpu.memory_space<vmem>> -> memref<128xi32, #tpu.memory_space<vmem>>
      %dma_start3A_146 = arith.constant 0 : i32
      %dma_start3A_147 = arith.constant 0 : i32
      %dma_start3A_148 = tpu.memref_slice %arg7[%dma_start3A_146, %dma_start3A_147] : memref<144x64xf32, #tpu.memory_space<vmem_shared>> -> memref<144x64xf32, #tpu.memory_space<vmem_shared>>
      tpu.enqueue_indirect_dma source(%dma_start3A_148 : memref<144x64xf32, #tpu.memory_space<vmem_shared>>) target(%dma_start3A_140 : memref<128x64xf32, #tpu.memory_space<vmem>>) offsets(%dma_start3A_145 : memref<128xi32, #tpu.memory_space<vmem>>) semaphore(%arg12 : memref<!tpu.dma_semaphore, #tpu.memory_space<semaphore_mem>>)
      %dma_wait3A_149 = arith.constant 0 : i32
      %dma_wait3A_150 = arith.constant 0 : i32
      %dma_wait3A_151 = arith.constant 0 : i32
      %dma_wait3A_152 = arith.constant 0 : i32
      %dma_wait3A_153 = tpu.memref_slice %arg6[%dma_wait3A_150, %dma_wait3A_151, %dma_wait3A_152] : memref<2x512x64xf32, #tpu.memory_space<vmem>> -> memref<1x512x64xf32, #tpu.memory_space<vmem>>
      %dma_wait3A_154 = tpu.memref_squeeze %dma_wait3A_153 : memref<1x512x64xf32, #tpu.memory_space<vmem>> -> memref<512x64xf32, #tpu.memory_space<vmem>>
      %dma_wait3A_155 = arith.constant 0 : i32
      %dma_wait3A_156 = arith.constant 0 : i32
      %dma_wait3A_157 = tpu.memref_slice %dma_wait3A_154[%dma_wait3A_155, %dma_wait3A_156] : memref<512x64xf32, #tpu.memory_space<vmem>> -> memref<128x64xf32, #tpu.memory_space<vmem>>
      %dma_wait3A_158 = arith.constant 0 : i32
      %dma_wait3A_159 = tpu.memref_slice %arg5[%dma_wait3A_149, %dma_wait3A_158] : memref<2x512xi32, #tpu.memory_space<vmem>> -> memref<1x512xi32, #tpu.memory_space<vmem>>
      %dma_wait3A_160 = tpu.memref_squeeze %dma_wait3A_159 : memref<1x512xi32, #tpu.memory_space<vmem>> -> memref<512xi32, #tpu.memory_space<vmem>>
      %dma_wait3A_161 = arith.constant 0 : i32
      %dma_wait3A_162 = tpu.memref_slice %dma_wait3A_160[%dma_wait3A_161] : memref<512xi32, #tpu.memory_space<vmem>> -> memref<128xi32, #tpu.memory_space<vmem>>
      %dma_wait3A_163 = arith.constant 0 : i32
      %dma_wait3A_164 = arith.constant 0 : i32
      %dma_wait3A_165 = tpu.memref_slice %arg7[%dma_wait3A_163, %dma_wait3A_164] : memref<144x64xf32, #tpu.memory_space<vmem_shared>> -> memref<144x64xf32, #tpu.memory_space<vmem_shared>>
      tpu.wait_indirect_dma semaphore(%arg12 : memref<!tpu.dma_semaphore, #tpu.memory_space<semaphore_mem>>) src(%dma_wait3A_165 : memref<144x64xf32, #tpu.memory_space<vmem_shared>>) dst(%dma_wait3A_157 : memref<128x64xf32, #tpu.memory_space<vmem>>)
      %dma_wait3A_166 = arith.constant 0 : i32
      %dma_wait3A_167 = arith.constant 0 : i32
      %dma_wait3A_168 = arith.constant 0 : i32
      %dma_wait3A_169 = arith.constant 0 : i32
      %dma_wait3A_170 = tpu.memref_slice %arg6[%dma_wait3A_167, %dma_wait3A_168, %dma_wait3A_169] : memref<2x512x64xf32, #tpu.memory_space<vmem>> -> memref<1x512x64xf32, #tpu.memory_space<vmem>>
      %dma_wait3A_171 = tpu.memref_squeeze %dma_wait3A_170 : memref<1x512x64xf32, #tpu.memory_space<vmem>> -> memref<512x64xf32, #tpu.memory_space<vmem>>
      %dma_wait3A_172 = arith.constant 128 : i32
      %dma_wait3A_173 = arith.constant 0 : i32
      %dma_wait3A_174 = tpu.memref_slice %dma_wait3A_171[%dma_wait3A_172, %dma_wait3A_173] : memref<512x64xf32, #tpu.memory_space<vmem>> -> memref<128x64xf32, #tpu.memory_space<vmem>>
      %dma_wait3A_175 = arith.constant 0 : i32
      %dma_wait3A_176 = tpu.memref_slice %arg5[%dma_wait3A_166, %dma_wait3A_175] : memref<2x512xi32, #tpu.memory_space<vmem>> -> memref<1x512xi32, #tpu.memory_space<vmem>>
      %dma_wait3A_177 = tpu.memref_squeeze %dma_wait3A_176 : memref<1x512xi32, #tpu.memory_space<vmem>> -> memref<512xi32, #tpu.memory_space<vmem>>
      %dma_wait3A_178 = arith.constant 128 : i32
      %dma_wait3A_179 = tpu.memref_slice %dma_wait3A_177[%dma_wait3A_178] : memref<512xi32, #tpu.memory_space<vmem>> -> memref<128xi32, #tpu.memory_space<vmem>>
      %dma_wait3A_180 = arith.constant 0 : i32
      %dma_wait3A_181 = arith.constant 0 : i32
      %dma_wait3A_182 = tpu.memref_slice %arg7[%dma_wait3A_180, %dma_wait3A_181] : memref<144x64xf32, #tpu.memory_space<vmem_shared>> -> memref<144x64xf32, #tpu.memory_space<vmem_shared>>
      tpu.wait_indirect_dma semaphore(%arg12 : memref<!tpu.dma_semaphore, #tpu.memory_space<semaphore_mem>>) src(%dma_wait3A_182 : memref<144x64xf32, #tpu.memory_space<vmem_shared>>) dst(%dma_wait3A_174 : memref<128x64xf32, #tpu.memory_space<vmem>>)
      %dma_wait3A_183 = arith.constant 0 : i32
      %dma_wait3A_184 = arith.constant 0 : i32
      %dma_wait3A_185 = arith.constant 0 : i32
      %dma_wait3A_186 = arith.constant 0 : i32
      %dma_wait3A_187 = tpu.memref_slice %arg6[%dma_wait3A_184, %dma_wait3A_185, %dma_wait3A_186] : memref<2x512x64xf32, #tpu.memory_space<vmem>> -> memref<1x512x64xf32, #tpu.memory_space<vmem>>
      %dma_wait3A_188 = tpu.memref_squeeze %dma_wait3A_187 : memref<1x512x64xf32, #tpu.memory_space<vmem>> -> memref<512x64xf32, #tpu.memory_space<vmem>>
      %dma_wait3A_189 = arith.constant 256 : i32
      %dma_wait3A_190 = arith.constant 0 : i32
      %dma_wait3A_191 = tpu.memref_slice %dma_wait3A_188[%dma_wait3A_189, %dma_wait3A_190] : memref<512x64xf32, #tpu.memory_space<vmem>> -> memref<128x64xf32, #tpu.memory_space<vmem>>
      %dma_wait3A_192 = arith.constant 0 : i32
      %dma_wait3A_193 = tpu.memref_slice %arg5[%dma_wait3A_183, %dma_wait3A_192] : memref<2x512xi32, #tpu.memory_space<vmem>> -> memref<1x512xi32, #tpu.memory_space<vmem>>
      %dma_wait3A_194 = tpu.memref_squeeze %dma_wait3A_193 : memref<1x512xi32, #tpu.memory_space<vmem>> -> memref<512xi32, #tpu.memory_space<vmem>>
      %dma_wait3A_195 = arith.constant 256 : i32
      %dma_wait3A_196 = tpu.memref_slice %dma_wait3A_194[%dma_wait3A_195] : memref<512xi32, #tpu.memory_space<vmem>> -> memref<128xi32, #tpu.memory_space<vmem>>
      %dma_wait3A_197 = arith.constant 0 : i32
      %dma_wait3A_198 = arith.constant 0 : i32
      %dma_wait3A_199 = tpu.memref_slice %arg7[%dma_wait3A_197, %dma_wait3A_198] : memref<144x64xf32, #tpu.memory_space<vmem_shared>> -> memref<144x64xf32, #tpu.memory_space<vmem_shared>>
      tpu.wait_indirect_dma semaphore(%arg12 : memref<!tpu.dma_semaphore, #tpu.memory_space<semaphore_mem>>) src(%dma_wait3A_199 : memref<144x64xf32, #tpu.memory_space<vmem_shared>>) dst(%dma_wait3A_191 : memref<128x64xf32, #tpu.memory_space<vmem>>)
      %dma_wait3A_200 = arith.constant 0 : i32
      %dma_wait3A_201 = arith.constant 0 : i32
      %dma_wait3A_202 = arith.constant 0 : i32
      %dma_wait3A_203 = arith.constant 0 : i32
      %dma_wait3A_204 = tpu.memref_slice %arg6[%dma_wait3A_201, %dma_wait3A_202, %dma_wait3A_203] : memref<2x512x64xf32, #tpu.memory_space<vmem>> -> memref<1x512x64xf32, #tpu.memory_space<vmem>>
      %dma_wait3A_205 = tpu.memref_squeeze %dma_wait3A_204 : memref<1x512x64xf32, #tpu.memory_space<vmem>> -> memref<512x64xf32, #tpu.memory_space<vmem>>
      %dma_wait3A_206 = arith.constant 384 : i32
      %dma_wait3A_207 = arith.constant 0 : i32
      %dma_wait3A_208 = tpu.memref_slice %dma_wait3A_205[%dma_wait3A_206, %dma_wait3A_207] : memref<512x64xf32, #tpu.memory_space<vmem>> -> memref<128x64xf32, #tpu.memory_space<vmem>>
      %dma_wait3A_209 = arith.constant 0 : i32
      %dma_wait3A_210 = tpu.memref_slice %arg5[%dma_wait3A_200, %dma_wait3A_209] : memref<2x512xi32, #tpu.memory_space<vmem>> -> memref<1x512xi32, #tpu.memory_space<vmem>>
      %dma_wait3A_211 = tpu.memref_squeeze %dma_wait3A_210 : memref<1x512xi32, #tpu.memory_space<vmem>> -> memref<512xi32, #tpu.memory_space<vmem>>
      %dma_wait3A_212 = arith.constant 384 : i32
      %dma_wait3A_213 = tpu.memref_slice %dma_wait3A_211[%dma_wait3A_212] : memref<512xi32, #tpu.memory_space<vmem>> -> memref<128xi32, #tpu.memory_space<vmem>>
      %dma_wait3A_214 = arith.constant 0 : i32
      %dma_wait3A_215 = arith.constant 0 : i32
      %dma_wait3A_216 = tpu.memref_slice %arg7[%dma_wait3A_214, %dma_wait3A_215] : memref<144x64xf32, #tpu.memory_space<vmem_shared>> -> memref<144x64xf32, #tpu.memory_space<vmem_shared>>
      tpu.wait_indirect_dma semaphore(%arg12 : memref<!tpu.dma_semaphore, #tpu.memory_space<semaphore_mem>>) src(%dma_wait3A_216 : memref<144x64xf32, #tpu.memory_space<vmem_shared>>) dst(%dma_wait3A_208 : memref<128x64xf32, #tpu.memory_space<vmem>>)
      %add3A_217 = arith.constant 2 : i32
      %add3A_218 = arith.addi %add3A_64, %add3A_217 : i32
      %lt3A = arith.constant 100 : i32
      %lt3A_219 = arith.cmpi slt, %add3A_218, %lt3A : i32
      %convert_element_type3A_220 = arith.extui %lt3A_219 : i1 to i32
      %cond3A_221 = arith.constant 0 : i32
      %cond3A_222 = arith.cmpi ne, %convert_element_type3A_220, %cond3A_221 : i32
      scf.if %cond3A_222 {
        %add3A_419 = arith.constant 2 : i32
        %add3A_420 = arith.addi %add3A_64, %add3A_419 : i32
        %mul3A_421 = arith.constant 512 : i32
        %mul3A_422 = arith.muli %add3A_420, %mul3A_421 : i32
        %add3A_423 = arith.addi %mul3A_2, %mul3A_422 : i32
        %dma_start3A_424 = arith.constant 0 : i32
        %dma_start3A_425 = arith.constant 0 : i32
        %dma_start3A_426 = tpu.memref_slice %arg5[%dma_start3A_424, %dma_start3A_425] : memref<2x512xi32, #tpu.memory_space<vmem>> -> memref<1x512xi32, #tpu.memory_space<vmem>>
        %dma_start3A_427 = tpu.memref_squeeze %dma_start3A_426 : memref<1x512xi32, #tpu.memory_space<vmem>> -> memref<512xi32, #tpu.memory_space<vmem>>
        %dma_start3A_428 = tpu.memref_slice %arg2[%add3A_423] : memref<1638400xi32, #tpu.memory_space<hbm>> -> memref<512xi32, #tpu.memory_space<hbm>>
        %dma_start3A_429 = arith.constant 0 : i32
        %dma_start3A_430 = tpu.memref_slice %arg5[%dma_start3A_424, %dma_start3A_429] : memref<2x512xi32, #tpu.memory_space<vmem>> -> memref<1x512xi32, #tpu.memory_space<vmem>>
        %dma_start3A_431 = tpu.memref_squeeze %dma_start3A_430 : memref<1x512xi32, #tpu.memory_space<vmem>> -> memref<512xi32, #tpu.memory_space<vmem>>
        %dma_start3A_432 = tpu.memref_slice %arg2[%add3A_423] : memref<1638400xi32, #tpu.memory_space<hbm>> -> memref<512xi32, #tpu.memory_space<hbm>>
        tpu.enqueue_dma source(%dma_start3A_432 : memref<512xi32, #tpu.memory_space<hbm>>) target(%dma_start3A_431 : memref<512xi32, #tpu.memory_space<vmem>>) target_semaphore(%arg8 : memref<!tpu.dma_semaphore, #tpu.memory_space<semaphore_mem>>)
      } else {
      }
      %mul3A_223 = arith.constant 512 : i32
      %mul3A_224 = arith.muli %add3A_64, %mul3A_223 : i32
      %add3A_225 = arith.addi %mul3A_2, %mul3A_224 : i32
      %dma_start3A_226 = arith.constant 0 : i32
      %dma_start3A_227 = arith.constant 0 : i32
      %dma_start3A_228 = arith.constant 0 : i32
      %dma_start3A_229 = tpu.memref_slice %arg6[%dma_start3A_226, %dma_start3A_227, %dma_start3A_228] : memref<2x512x64xf32, #tpu.memory_space<vmem>> -> memref<1x512x64xf32, #tpu.memory_space<vmem>>
      %dma_start3A_230 = tpu.memref_squeeze %dma_start3A_229 : memref<1x512x64xf32, #tpu.memory_space<vmem>> -> memref<512x64xf32, #tpu.memory_space<vmem>>
      %dma_start3A_231 = arith.constant 0 : i32
      %dma_start3A_232 = tpu.memref_slice %arg4[%add3A_225, %dma_start3A_231] : memref<1638400x64xf32, #tpu.memory_space<hbm>> -> memref<512x64xf32, #tpu.memory_space<hbm>>
      %dma_start3A_233 = arith.constant 0 : i32
      %dma_start3A_234 = tpu.memref_slice %arg4[%add3A_225, %dma_start3A_233] : memref<1638400x64xf32, #tpu.memory_space<hbm>> -> memref<512x64xf32, #tpu.memory_space<hbm>>
      %dma_start3A_235 = arith.constant 0 : i32
      %dma_start3A_236 = arith.constant 0 : i32
      %dma_start3A_237 = tpu.memref_slice %arg6[%dma_start3A_226, %dma_start3A_235, %dma_start3A_236] : memref<2x512x64xf32, #tpu.memory_space<vmem>> -> memref<1x512x64xf32, #tpu.memory_space<vmem>>
      %dma_start3A_238 = tpu.memref_squeeze %dma_start3A_237 : memref<1x512x64xf32, #tpu.memory_space<vmem>> -> memref<512x64xf32, #tpu.memory_space<vmem>>
      tpu.enqueue_dma source(%dma_start3A_238 : memref<512x64xf32, #tpu.memory_space<vmem>>) target(%dma_start3A_234 : memref<512x64xf32, #tpu.memory_space<hbm>>) target_semaphore(%arg10 : memref<!tpu.dma_semaphore, #tpu.memory_space<semaphore_mem>>)
      %mul3A_239 = arith.constant 2 : i32
      %mul3A_240 = arith.muli %scan3A_60, %mul3A_239 : i32
      %add3A_241 = arith.constant 1 : i32
      %add3A_242 = arith.addi %mul3A_240, %add3A_241 : i32
      %mul3A_243 = arith.constant 512 : i32
      %mul3A_244 = arith.muli %add3A_242, %mul3A_243 : i32
      %add3A_245 = arith.addi %mul3A_2, %mul3A_244 : i32
      %dma_wait3A_246 = arith.constant 1 : i32
      %dma_wait3A_247 = arith.constant 0 : i32
      %dma_wait3A_248 = tpu.memref_slice %arg5[%dma_wait3A_246, %dma_wait3A_247] : memref<2x512xi32, #tpu.memory_space<vmem>> -> memref<1x512xi32, #tpu.memory_space<vmem>>
      %dma_wait3A_249 = tpu.memref_squeeze %dma_wait3A_248 : memref<1x512xi32, #tpu.memory_space<vmem>> -> memref<512xi32, #tpu.memory_space<vmem>>
      %dma_wait3A_250 = tpu.memref_slice %arg2[%add3A_245] : memref<1638400xi32, #tpu.memory_space<hbm>> -> memref<512xi32, #tpu.memory_space<hbm>>
      %dma_wait3A_251 = arith.constant 0 : i32
      %dma_wait3A_252 = tpu.memref_slice %arg5[%dma_wait3A_246, %dma_wait3A_251] : memref<2x512xi32, #tpu.memory_space<vmem>> -> memref<1x512xi32, #tpu.memory_space<vmem>>
      %dma_wait3A_253 = tpu.memref_squeeze %dma_wait3A_252 : memref<1x512xi32, #tpu.memory_space<vmem>> -> memref<512xi32, #tpu.memory_space<vmem>>
      %dma_wait3A_254 = tpu.memref_slice %arg2[%add3A_245] : memref<1638400xi32, #tpu.memory_space<hbm>> -> memref<512xi32, #tpu.memory_space<hbm>>
      tpu.wait_dma2 semaphore(%arg9 : memref<!tpu.dma_semaphore, #tpu.memory_space<semaphore_mem>>) src(%dma_wait3A_254 : memref<512xi32, #tpu.memory_space<hbm>>) dst(%dma_wait3A_253 : memref<512xi32, #tpu.memory_space<vmem>>)
      %gt3A_255 = arith.constant 0 : i32
      %gt3A_256 = arith.cmpi sgt, %scan3A_60, %gt3A_255 : i32
      %convert_element_type3A_257 = arith.extui %gt3A_256 : i1 to i32
      %cond3A_258 = arith.constant 0 : i32
      %cond3A_259 = arith.cmpi ne, %convert_element_type3A_257, %cond3A_258 : i32
      scf.if %cond3A_259 {
        %sub3A = arith.constant 2 : i32
        %sub3A_419 = arith.subi %add3A_242, %sub3A : i32
        %mul3A_420 = arith.constant 512 : i32
        %mul3A_421 = arith.muli %sub3A_419, %mul3A_420 : i32
        %add3A_422 = arith.addi %mul3A_2, %mul3A_421 : i32
        %dma_wait3A_423 = arith.constant 1 : i32
        %dma_wait3A_424 = arith.constant 0 : i32
        %dma_wait3A_425 = arith.constant 0 : i32
        %dma_wait3A_426 = tpu.memref_slice %arg6[%dma_wait3A_423, %dma_wait3A_424, %dma_wait3A_425] : memref<2x512x64xf32, #tpu.memory_space<vmem>> -> memref<1x512x64xf32, #tpu.memory_space<vmem>>
        %dma_wait3A_427 = tpu.memref_squeeze %dma_wait3A_426 : memref<1x512x64xf32, #tpu.memory_space<vmem>> -> memref<512x64xf32, #tpu.memory_space<vmem>>
        %dma_wait3A_428 = arith.constant 0 : i32
        %dma_wait3A_429 = tpu.memref_slice %arg4[%add3A_422, %dma_wait3A_428] : memref<1638400x64xf32, #tpu.memory_space<hbm>> -> memref<512x64xf32, #tpu.memory_space<hbm>>
        %dma_wait3A_430 = arith.constant 0 : i32
        %dma_wait3A_431 = tpu.memref_slice %arg4[%add3A_422, %dma_wait3A_430] : memref<1638400x64xf32, #tpu.memory_space<hbm>> -> memref<512x64xf32, #tpu.memory_space<hbm>>
        %dma_wait3A_432 = arith.constant 0 : i32
        %dma_wait3A_433 = arith.constant 0 : i32
        %dma_wait3A_434 = tpu.memref_slice %arg6[%dma_wait3A_423, %dma_wait3A_432, %dma_wait3A_433] : memref<2x512x64xf32, #tpu.memory_space<vmem>> -> memref<1x512x64xf32, #tpu.memory_space<vmem>>
        %dma_wait3A_435 = tpu.memref_squeeze %dma_wait3A_434 : memref<1x512x64xf32, #tpu.memory_space<vmem>> -> memref<512x64xf32, #tpu.memory_space<vmem>>
        tpu.wait_dma2 semaphore(%arg11 : memref<!tpu.dma_semaphore, #tpu.memory_space<semaphore_mem>>) src(%dma_wait3A_435 : memref<512x64xf32, #tpu.memory_space<vmem>>) dst(%dma_wait3A_431 : memref<512x64xf32, #tpu.memory_space<hbm>>)
      } else {
      }
      %dma_start3A_260 = arith.constant 1 : i32
      %dma_start3A_261 = arith.constant 1 : i32
      %dma_start3A_262 = arith.constant 0 : i32
      %dma_start3A_263 = arith.constant 0 : i32
      %dma_start3A_264 = tpu.memref_slice %arg6[%dma_start3A_261, %dma_start3A_262, %dma_start3A_263] : memref<2x512x64xf32, #tpu.memory_space<vmem>> -> memref<1x512x64xf32, #tpu.memory_space<vmem>>
      %dma_start3A_265 = tpu.memref_squeeze %dma_start3A_264 : memref<1x512x64xf32, #tpu.memory_space<vmem>> -> memref<512x64xf32, #tpu.memory_space<vmem>>
      %dma_start3A_266 = arith.constant 0 : i32
      %dma_start3A_267 = arith.constant 0 : i32
      %dma_start3A_268 = tpu.memref_slice %dma_start3A_265[%dma_start3A_266, %dma_start3A_267] : memref<512x64xf32, #tpu.memory_space<vmem>> -> memref<128x64xf32, #tpu.memory_space<vmem>>
      %dma_start3A_269 = arith.constant 0 : i32
      %dma_start3A_270 = tpu.memref_slice %arg5[%dma_start3A_260, %dma_start3A_269] : memref<2x512xi32, #tpu.memory_space<vmem>> -> memref<1x512xi32, #tpu.memory_space<vmem>>
      %dma_start3A_271 = tpu.memref_squeeze %dma_start3A_270 : memref<1x512xi32, #tpu.memory_space<vmem>> -> memref<512xi32, #tpu.memory_space<vmem>>
      %dma_start3A_272 = arith.constant 0 : i32
      %dma_start3A_273 = tpu.memref_slice %dma_start3A_271[%dma_start3A_272] : memref<512xi32, #tpu.memory_space<vmem>> -> memref<128xi32, #tpu.memory_space<vmem>>
      %dma_start3A_274 = arith.constant 0 : i32
      %dma_start3A_275 = arith.constant 0 : i32
      %dma_start3A_276 = tpu.memref_slice %arg7[%dma_start3A_274, %dma_start3A_275] : memref<144x64xf32, #tpu.memory_space<vmem_shared>> -> memref<144x64xf32, #tpu.memory_space<vmem_shared>>
      tpu.enqueue_indirect_dma source(%dma_start3A_276 : memref<144x64xf32, #tpu.memory_space<vmem_shared>>) target(%dma_start3A_268 : memref<128x64xf32, #tpu.memory_space<vmem>>) offsets(%dma_start3A_273 : memref<128xi32, #tpu.memory_space<vmem>>) semaphore(%arg12 : memref<!tpu.dma_semaphore, #tpu.memory_space<semaphore_mem>>)
      %dma_start3A_277 = arith.constant 1 : i32
      %dma_start3A_278 = arith.constant 1 : i32
      %dma_start3A_279 = arith.constant 0 : i32
      %dma_start3A_280 = arith.constant 0 : i32
      %dma_start3A_281 = tpu.memref_slice %arg6[%dma_start3A_278, %dma_start3A_279, %dma_start3A_280] : memref<2x512x64xf32, #tpu.memory_space<vmem>> -> memref<1x512x64xf32, #tpu.memory_space<vmem>>
      %dma_start3A_282 = tpu.memref_squeeze %dma_start3A_281 : memref<1x512x64xf32, #tpu.memory_space<vmem>> -> memref<512x64xf32, #tpu.memory_space<vmem>>
      %dma_start3A_283 = arith.constant 128 : i32
      %dma_start3A_284 = arith.constant 0 : i32
      %dma_start3A_285 = tpu.memref_slice %dma_start3A_282[%dma_start3A_283, %dma_start3A_284] : memref<512x64xf32, #tpu.memory_space<vmem>> -> memref<128x64xf32, #tpu.memory_space<vmem>>
      %dma_start3A_286 = arith.constant 0 : i32
      %dma_start3A_287 = tpu.memref_slice %arg5[%dma_start3A_277, %dma_start3A_286] : memref<2x512xi32, #tpu.memory_space<vmem>> -> memref<1x512xi32, #tpu.memory_space<vmem>>
      %dma_start3A_288 = tpu.memref_squeeze %dma_start3A_287 : memref<1x512xi32, #tpu.memory_space<vmem>> -> memref<512xi32, #tpu.memory_space<vmem>>
      %dma_start3A_289 = arith.constant 128 : i32
      %dma_start3A_290 = tpu.memref_slice %dma_start3A_288[%dma_start3A_289] : memref<512xi32, #tpu.memory_space<vmem>> -> memref<128xi32, #tpu.memory_space<vmem>>
      %dma_start3A_291 = arith.constant 0 : i32
      %dma_start3A_292 = arith.constant 0 : i32
      %dma_start3A_293 = tpu.memref_slice %arg7[%dma_start3A_291, %dma_start3A_292] : memref<144x64xf32, #tpu.memory_space<vmem_shared>> -> memref<144x64xf32, #tpu.memory_space<vmem_shared>>
      tpu.enqueue_indirect_dma source(%dma_start3A_293 : memref<144x64xf32, #tpu.memory_space<vmem_shared>>) target(%dma_start3A_285 : memref<128x64xf32, #tpu.memory_space<vmem>>) offsets(%dma_start3A_290 : memref<128xi32, #tpu.memory_space<vmem>>) semaphore(%arg12 : memref<!tpu.dma_semaphore, #tpu.memory_space<semaphore_mem>>)
      %dma_start3A_294 = arith.constant 1 : i32
      %dma_start3A_295 = arith.constant 1 : i32
      %dma_start3A_296 = arith.constant 0 : i32
      %dma_start3A_297 = arith.constant 0 : i32
      %dma_start3A_298 = tpu.memref_slice %arg6[%dma_start3A_295, %dma_start3A_296, %dma_start3A_297] : memref<2x512x64xf32, #tpu.memory_space<vmem>> -> memref<1x512x64xf32, #tpu.memory_space<vmem>>
      %dma_start3A_299 = tpu.memref_squeeze %dma_start3A_298 : memref<1x512x64xf32, #tpu.memory_space<vmem>> -> memref<512x64xf32, #tpu.memory_space<vmem>>
      %dma_start3A_300 = arith.constant 256 : i32
      %dma_start3A_301 = arith.constant 0 : i32
      %dma_start3A_302 = tpu.memref_slice %dma_start3A_299[%dma_start3A_300, %dma_start3A_301] : memref<512x64xf32, #tpu.memory_space<vmem>> -> memref<128x64xf32, #tpu.memory_space<vmem>>
      %dma_start3A_303 = arith.constant 0 : i32
      %dma_start3A_304 = tpu.memref_slice %arg5[%dma_start3A_294, %dma_start3A_303] : memref<2x512xi32, #tpu.memory_space<vmem>> -> memref<1x512xi32, #tpu.memory_space<vmem>>
      %dma_start3A_305 = tpu.memref_squeeze %dma_start3A_304 : memref<1x512xi32, #tpu.memory_space<vmem>> -> memref<512xi32, #tpu.memory_space<vmem>>
      %dma_start3A_306 = arith.constant 256 : i32
      %dma_start3A_307 = tpu.memref_slice %dma_start3A_305[%dma_start3A_306] : memref<512xi32, #tpu.memory_space<vmem>> -> memref<128xi32, #tpu.memory_space<vmem>>
      %dma_start3A_308 = arith.constant 0 : i32
      %dma_start3A_309 = arith.constant 0 : i32
      %dma_start3A_310 = tpu.memref_slice %arg7[%dma_start3A_308, %dma_start3A_309] : memref<144x64xf32, #tpu.memory_space<vmem_shared>> -> memref<144x64xf32, #tpu.memory_space<vmem_shared>>
      tpu.enqueue_indirect_dma source(%dma_start3A_310 : memref<144x64xf32, #tpu.memory_space<vmem_shared>>) target(%dma_start3A_302 : memref<128x64xf32, #tpu.memory_space<vmem>>) offsets(%dma_start3A_307 : memref<128xi32, #tpu.memory_space<vmem>>) semaphore(%arg12 : memref<!tpu.dma_semaphore, #tpu.memory_space<semaphore_mem>>)
      %dma_start3A_311 = arith.constant 1 : i32
      %dma_start3A_312 = arith.constant 1 : i32
      %dma_start3A_313 = arith.constant 0 : i32
      %dma_start3A_314 = arith.constant 0 : i32
      %dma_start3A_315 = tpu.memref_slice %arg6[%dma_start3A_312, %dma_start3A_313, %dma_start3A_314] : memref<2x512x64xf32, #tpu.memory_space<vmem>> -> memref<1x512x64xf32, #tpu.memory_space<vmem>>
      %dma_start3A_316 = tpu.memref_squeeze %dma_start3A_315 : memref<1x512x64xf32, #tpu.memory_space<vmem>> -> memref<512x64xf32, #tpu.memory_space<vmem>>
      %dma_start3A_317 = arith.constant 384 : i32
      %dma_start3A_318 = arith.constant 0 : i32
      %dma_start3A_319 = tpu.memref_slice %dma_start3A_316[%dma_start3A_317, %dma_start3A_318] : memref<512x64xf32, #tpu.memory_space<vmem>> -> memref<128x64xf32, #tpu.memory_space<vmem>>
      %dma_start3A_320 = arith.constant 0 : i32
      %dma_start3A_321 = tpu.memref_slice %arg5[%dma_start3A_311, %dma_start3A_320] : memref<2x512xi32, #tpu.memory_space<vmem>> -> memref<1x512xi32, #tpu.memory_space<vmem>>
      %dma_start3A_322 = tpu.memref_squeeze %dma_start3A_321 : memref<1x512xi32, #tpu.memory_space<vmem>> -> memref<512xi32, #tpu.memory_space<vmem>>
      %dma_start3A_323 = arith.constant 384 : i32
      %dma_start3A_324 = tpu.memref_slice %dma_start3A_322[%dma_start3A_323] : memref<512xi32, #tpu.memory_space<vmem>> -> memref<128xi32, #tpu.memory_space<vmem>>
      %dma_start3A_325 = arith.constant 0 : i32
      %dma_start3A_326 = arith.constant 0 : i32
      %dma_start3A_327 = tpu.memref_slice %arg7[%dma_start3A_325, %dma_start3A_326] : memref<144x64xf32, #tpu.memory_space<vmem_shared>> -> memref<144x64xf32, #tpu.memory_space<vmem_shared>>
      tpu.enqueue_indirect_dma source(%dma_start3A_327 : memref<144x64xf32, #tpu.memory_space<vmem_shared>>) target(%dma_start3A_319 : memref<128x64xf32, #tpu.memory_space<vmem>>) offsets(%dma_start3A_324 : memref<128xi32, #tpu.memory_space<vmem>>) semaphore(%arg12 : memref<!tpu.dma_semaphore, #tpu.memory_space<semaphore_mem>>)
      %dma_wait3A_328 = arith.constant 1 : i32
      %dma_wait3A_329 = arith.constant 1 : i32
      %dma_wait3A_330 = arith.constant 0 : i32
      %dma_wait3A_331 = arith.constant 0 : i32
      %dma_wait3A_332 = tpu.memref_slice %arg6[%dma_wait3A_329, %dma_wait3A_330, %dma_wait3A_331] : memref<2x512x64xf32, #tpu.memory_space<vmem>> -> memref<1x512x64xf32, #tpu.memory_space<vmem>>
      %dma_wait3A_333 = tpu.memref_squeeze %dma_wait3A_332 : memref<1x512x64xf32, #tpu.memory_space<vmem>> -> memref<512x64xf32, #tpu.memory_space<vmem>>
      %dma_wait3A_334 = arith.constant 0 : i32
      %dma_wait3A_335 = arith.constant 0 : i32
      %dma_wait3A_336 = tpu.memref_slice %dma_wait3A_333[%dma_wait3A_334, %dma_wait3A_335] : memref<512x64xf32, #tpu.memory_space<vmem>> -> memref<128x64xf32, #tpu.memory_space<vmem>>
      %dma_wait3A_337 = arith.constant 0 : i32
      %dma_wait3A_338 = tpu.memref_slice %arg5[%dma_wait3A_328, %dma_wait3A_337] : memref<2x512xi32, #tpu.memory_space<vmem>> -> memref<1x512xi32, #tpu.memory_space<vmem>>
      %dma_wait3A_339 = tpu.memref_squeeze %dma_wait3A_338 : memref<1x512xi32, #tpu.memory_space<vmem>> -> memref<512xi32, #tpu.memory_space<vmem>>
      %dma_wait3A_340 = arith.constant 0 : i32
      %dma_wait3A_341 = tpu.memref_slice %dma_wait3A_339[%dma_wait3A_340] : memref<512xi32, #tpu.memory_space<vmem>> -> memref<128xi32, #tpu.memory_space<vmem>>
      %dma_wait3A_342 = arith.constant 0 : i32
      %dma_wait3A_343 = arith.constant 0 : i32
      %dma_wait3A_344 = tpu.memref_slice %arg7[%dma_wait3A_342, %dma_wait3A_343] : memref<144x64xf32, #tpu.memory_space<vmem_shared>> -> memref<144x64xf32, #tpu.memory_space<vmem_shared>>
      tpu.wait_indirect_dma semaphore(%arg12 : memref<!tpu.dma_semaphore, #tpu.memory_space<semaphore_mem>>) src(%dma_wait3A_344 : memref<144x64xf32, #tpu.memory_space<vmem_shared>>) dst(%dma_wait3A_336 : memref<128x64xf32, #tpu.memory_space<vmem>>)
      %dma_wait3A_345 = arith.constant 1 : i32
      %dma_wait3A_346 = arith.constant 1 : i32
      %dma_wait3A_347 = arith.constant 0 : i32
      %dma_wait3A_348 = arith.constant 0 : i32
      %dma_wait3A_349 = tpu.memref_slice %arg6[%dma_wait3A_346, %dma_wait3A_347, %dma_wait3A_348] : memref<2x512x64xf32, #tpu.memory_space<vmem>> -> memref<1x512x64xf32, #tpu.memory_space<vmem>>
      %dma_wait3A_350 = tpu.memref_squeeze %dma_wait3A_349 : memref<1x512x64xf32, #tpu.memory_space<vmem>> -> memref<512x64xf32, #tpu.memory_space<vmem>>
      %dma_wait3A_351 = arith.constant 128 : i32
      %dma_wait3A_352 = arith.constant 0 : i32
      %dma_wait3A_353 = tpu.memref_slice %dma_wait3A_350[%dma_wait3A_351, %dma_wait3A_352] : memref<512x64xf32, #tpu.memory_space<vmem>> -> memref<128x64xf32, #tpu.memory_space<vmem>>
      %dma_wait3A_354 = arith.constant 0 : i32
      %dma_wait3A_355 = tpu.memref_slice %arg5[%dma_wait3A_345, %dma_wait3A_354] : memref<2x512xi32, #tpu.memory_space<vmem>> -> memref<1x512xi32, #tpu.memory_space<vmem>>
      %dma_wait3A_356 = tpu.memref_squeeze %dma_wait3A_355 : memref<1x512xi32, #tpu.memory_space<vmem>> -> memref<512xi32, #tpu.memory_space<vmem>>
      %dma_wait3A_357 = arith.constant 128 : i32
      %dma_wait3A_358 = tpu.memref_slice %dma_wait3A_356[%dma_wait3A_357] : memref<512xi32, #tpu.memory_space<vmem>> -> memref<128xi32, #tpu.memory_space<vmem>>
      %dma_wait3A_359 = arith.constant 0 : i32
      %dma_wait3A_360 = arith.constant 0 : i32
      %dma_wait3A_361 = tpu.memref_slice %arg7[%dma_wait3A_359, %dma_wait3A_360] : memref<144x64xf32, #tpu.memory_space<vmem_shared>> -> memref<144x64xf32, #tpu.memory_space<vmem_shared>>
      tpu.wait_indirect_dma semaphore(%arg12 : memref<!tpu.dma_semaphore, #tpu.memory_space<semaphore_mem>>) src(%dma_wait3A_361 : memref<144x64xf32, #tpu.memory_space<vmem_shared>>) dst(%dma_wait3A_353 : memref<128x64xf32, #tpu.memory_space<vmem>>)
      %dma_wait3A_362 = arith.constant 1 : i32
      %dma_wait3A_363 = arith.constant 1 : i32
      %dma_wait3A_364 = arith.constant 0 : i32
      %dma_wait3A_365 = arith.constant 0 : i32
      %dma_wait3A_366 = tpu.memref_slice %arg6[%dma_wait3A_363, %dma_wait3A_364, %dma_wait3A_365] : memref<2x512x64xf32, #tpu.memory_space<vmem>> -> memref<1x512x64xf32, #tpu.memory_space<vmem>>
      %dma_wait3A_367 = tpu.memref_squeeze %dma_wait3A_366 : memref<1x512x64xf32, #tpu.memory_space<vmem>> -> memref<512x64xf32, #tpu.memory_space<vmem>>
      %dma_wait3A_368 = arith.constant 256 : i32
      %dma_wait3A_369 = arith.constant 0 : i32
      %dma_wait3A_370 = tpu.memref_slice %dma_wait3A_367[%dma_wait3A_368, %dma_wait3A_369] : memref<512x64xf32, #tpu.memory_space<vmem>> -> memref<128x64xf32, #tpu.memory_space<vmem>>
      %dma_wait3A_371 = arith.constant 0 : i32
      %dma_wait3A_372 = tpu.memref_slice %arg5[%dma_wait3A_362, %dma_wait3A_371] : memref<2x512xi32, #tpu.memory_space<vmem>> -> memref<1x512xi32, #tpu.memory_space<vmem>>
      %dma_wait3A_373 = tpu.memref_squeeze %dma_wait3A_372 : memref<1x512xi32, #tpu.memory_space<vmem>> -> memref<512xi32, #tpu.memory_space<vmem>>
      %dma_wait3A_374 = arith.constant 256 : i32
      %dma_wait3A_375 = tpu.memref_slice %dma_wait3A_373[%dma_wait3A_374] : memref<512xi32, #tpu.memory_space<vmem>> -> memref<128xi32, #tpu.memory_space<vmem>>
      %dma_wait3A_376 = arith.constant 0 : i32
      %dma_wait3A_377 = arith.constant 0 : i32
      %dma_wait3A_378 = tpu.memref_slice %arg7[%dma_wait3A_376, %dma_wait3A_377] : memref<144x64xf32, #tpu.memory_space<vmem_shared>> -> memref<144x64xf32, #tpu.memory_space<vmem_shared>>
      tpu.wait_indirect_dma semaphore(%arg12 : memref<!tpu.dma_semaphore, #tpu.memory_space<semaphore_mem>>) src(%dma_wait3A_378 : memref<144x64xf32, #tpu.memory_space<vmem_shared>>) dst(%dma_wait3A_370 : memref<128x64xf32, #tpu.memory_space<vmem>>)
      %dma_wait3A_379 = arith.constant 1 : i32
      %dma_wait3A_380 = arith.constant 1 : i32
      %dma_wait3A_381 = arith.constant 0 : i32
      %dma_wait3A_382 = arith.constant 0 : i32
      %dma_wait3A_383 = tpu.memref_slice %arg6[%dma_wait3A_380, %dma_wait3A_381, %dma_wait3A_382] : memref<2x512x64xf32, #tpu.memory_space<vmem>> -> memref<1x512x64xf32, #tpu.memory_space<vmem>>
      %dma_wait3A_384 = tpu.memref_squeeze %dma_wait3A_383 : memref<1x512x64xf32, #tpu.memory_space<vmem>> -> memref<512x64xf32, #tpu.memory_space<vmem>>
      %dma_wait3A_385 = arith.constant 384 : i32
      %dma_wait3A_386 = arith.constant 0 : i32
      %dma_wait3A_387 = tpu.memref_slice %dma_wait3A_384[%dma_wait3A_385, %dma_wait3A_386] : memref<512x64xf32, #tpu.memory_space<vmem>> -> memref<128x64xf32, #tpu.memory_space<vmem>>
      %dma_wait3A_388 = arith.constant 0 : i32
      %dma_wait3A_389 = tpu.memref_slice %arg5[%dma_wait3A_379, %dma_wait3A_388] : memref<2x512xi32, #tpu.memory_space<vmem>> -> memref<1x512xi32, #tpu.memory_space<vmem>>
      %dma_wait3A_390 = tpu.memref_squeeze %dma_wait3A_389 : memref<1x512xi32, #tpu.memory_space<vmem>> -> memref<512xi32, #tpu.memory_space<vmem>>
      %dma_wait3A_391 = arith.constant 384 : i32
      %dma_wait3A_392 = tpu.memref_slice %dma_wait3A_390[%dma_wait3A_391] : memref<512xi32, #tpu.memory_space<vmem>> -> memref<128xi32, #tpu.memory_space<vmem>>
      %dma_wait3A_393 = arith.constant 0 : i32
      %dma_wait3A_394 = arith.constant 0 : i32
      %dma_wait3A_395 = tpu.memref_slice %arg7[%dma_wait3A_393, %dma_wait3A_394] : memref<144x64xf32, #tpu.memory_space<vmem_shared>> -> memref<144x64xf32, #tpu.memory_space<vmem_shared>>
      tpu.wait_indirect_dma semaphore(%arg12 : memref<!tpu.dma_semaphore, #tpu.memory_space<semaphore_mem>>) src(%dma_wait3A_395 : memref<144x64xf32, #tpu.memory_space<vmem_shared>>) dst(%dma_wait3A_387 : memref<128x64xf32, #tpu.memory_space<vmem>>)
      %add3A_396 = arith.constant 2 : i32
      %add3A_397 = arith.addi %add3A_242, %add3A_396 : i32
      %lt3A_398 = arith.constant 100 : i32
      %lt3A_399 = arith.cmpi slt, %add3A_397, %lt3A_398 : i32
      %convert_element_type3A_400 = arith.extui %lt3A_399 : i1 to i32
      %cond3A_401 = arith.constant 0 : i32
      %cond3A_402 = arith.cmpi ne, %convert_element_type3A_400, %cond3A_401 : i32
      scf.if %cond3A_402 {
        %add3A_419 = arith.constant 2 : i32
        %add3A_420 = arith.addi %add3A_242, %add3A_419 : i32
        %mul3A_421 = arith.constant 512 : i32
        %mul3A_422 = arith.muli %add3A_420, %mul3A_421 : i32
        %add3A_423 = arith.addi %mul3A_2, %mul3A_422 : i32
        %dma_start3A_424 = arith.constant 1 : i32
        %dma_start3A_425 = arith.constant 0 : i32
        %dma_start3A_426 = tpu.memref_slice %arg5[%dma_start3A_424, %dma_start3A_425] : memref<2x512xi32, #tpu.memory_space<vmem>> -> memref<1x512xi32, #tpu.memory_space<vmem>>
        %dma_start3A_427 = tpu.memref_squeeze %dma_start3A_426 : memref<1x512xi32, #tpu.memory_space<vmem>> -> memref<512xi32, #tpu.memory_space<vmem>>
        %dma_start3A_428 = tpu.memref_slice %arg2[%add3A_423] : memref<1638400xi32, #tpu.memory_space<hbm>> -> memref<512xi32, #tpu.memory_space<hbm>>
        %dma_start3A_429 = arith.constant 0 : i32
        %dma_start3A_430 = tpu.memref_slice %arg5[%dma_start3A_424, %dma_start3A_429] : memref<2x512xi32, #tpu.memory_space<vmem>> -> memref<1x512xi32, #tpu.memory_space<vmem>>
        %dma_start3A_431 = tpu.memref_squeeze %dma_start3A_430 : memref<1x512xi32, #tpu.memory_space<vmem>> -> memref<512xi32, #tpu.memory_space<vmem>>
        %dma_start3A_432 = tpu.memref_slice %arg2[%add3A_423] : memref<1638400xi32, #tpu.memory_space<hbm>> -> memref<512xi32, #tpu.memory_space<hbm>>
        tpu.enqueue_dma source(%dma_start3A_432 : memref<512xi32, #tpu.memory_space<hbm>>) target(%dma_start3A_431 : memref<512xi32, #tpu.memory_space<vmem>>) target_semaphore(%arg9 : memref<!tpu.dma_semaphore, #tpu.memory_space<semaphore_mem>>)
      } else {
      }
      %mul3A_403 = arith.constant 512 : i32
      %mul3A_404 = arith.muli %add3A_242, %mul3A_403 : i32
      %add3A_405 = arith.addi %mul3A_2, %mul3A_404 : i32
      %dma_start3A_406 = arith.constant 1 : i32
      %dma_start3A_407 = arith.constant 0 : i32
      %dma_start3A_408 = arith.constant 0 : i32
      %dma_start3A_409 = tpu.memref_slice %arg6[%dma_start3A_406, %dma_start3A_407, %dma_start3A_408] : memref<2x512x64xf32, #tpu.memory_space<vmem>> -> memref<1x512x64xf32, #tpu.memory_space<vmem>>
      %dma_start3A_410 = tpu.memref_squeeze %dma_start3A_409 : memref<1x512x64xf32, #tpu.memory_space<vmem>> -> memref<512x64xf32, #tpu.memory_space<vmem>>
      %dma_start3A_411 = arith.constant 0 : i32
      %dma_start3A_412 = tpu.memref_slice %arg4[%add3A_405, %dma_start3A_411] : memref<1638400x64xf32, #tpu.memory_space<hbm>> -> memref<512x64xf32, #tpu.memory_space<hbm>>
      %dma_start3A_413 = arith.constant 0 : i32
      %dma_start3A_414 = tpu.memref_slice %arg4[%add3A_405, %dma_start3A_413] : memref<1638400x64xf32, #tpu.memory_space<hbm>> -> memref<512x64xf32, #tpu.memory_space<hbm>>
      %dma_start3A_415 = arith.constant 0 : i32
      %dma_start3A_416 = arith.constant 0 : i32
      %dma_start3A_417 = tpu.memref_slice %arg6[%dma_start3A_406, %dma_start3A_415, %dma_start3A_416] : memref<2x512x64xf32, #tpu.memory_space<vmem>> -> memref<1x512x64xf32, #tpu.memory_space<vmem>>
      %dma_start3A_418 = tpu.memref_squeeze %dma_start3A_417 : memref<1x512x64xf32, #tpu.memory_space<vmem>> -> memref<512x64xf32, #tpu.memory_space<vmem>>
      tpu.enqueue_dma source(%dma_start3A_418 : memref<512x64xf32, #tpu.memory_space<vmem>>) target(%dma_start3A_414 : memref<512x64xf32, #tpu.memory_space<hbm>>) target_semaphore(%arg11 : memref<!tpu.dma_semaphore, #tpu.memory_space<semaphore_mem>>)
    }
    %scan3A_30 = arith.constant 50 : i32
    %add3A_31 = arith.constant 50176 : i32
    %add3A_32 = arith.addi %mul3A_2, %add3A_31 : i32
    %dma_wait3A = arith.constant 0 : i32
    %dma_wait3A_33 = arith.constant 0 : i32
    %dma_wait3A_34 = arith.constant 0 : i32
    %dma_wait3A_35 = tpu.memref_slice %arg6[%dma_wait3A, %dma_wait3A_33, %dma_wait3A_34] : memref<2x512x64xf32, #tpu.memory_space<vmem>> -> memref<1x512x64xf32, #tpu.memory_space<vmem>>
    %dma_wait3A_36 = tpu.memref_squeeze %dma_wait3A_35 : memref<1x512x64xf32, #tpu.memory_space<vmem>> -> memref<512x64xf32, #tpu.memory_space<vmem>>
    %dma_wait3A_37 = arith.constant 0 : i32
    %dma_wait3A_38 = tpu.memref_slice %arg4[%add3A_32, %dma_wait3A_37] : memref<1638400x64xf32, #tpu.memory_space<hbm>> -> memref<512x64xf32, #tpu.memory_space<hbm>>
    %dma_wait3A_39 = arith.constant 0 : i32
    %dma_wait3A_40 = tpu.memref_slice %arg4[%add3A_32, %dma_wait3A_39] : memref<1638400x64xf32, #tpu.memory_space<hbm>> -> memref<512x64xf32, #tpu.memory_space<hbm>>
    %dma_wait3A_41 = arith.constant 0 : i32
    %dma_wait3A_42 = arith.constant 0 : i32
    %dma_wait3A_43 = tpu.memref_slice %arg6[%dma_wait3A, %dma_wait3A_41, %dma_wait3A_42] : memref<2x512x64xf32, #tpu.memory_space<vmem>> -> memref<1x512x64xf32, #tpu.memory_space<vmem>>
    %dma_wait3A_44 = tpu.memref_squeeze %dma_wait3A_43 : memref<1x512x64xf32, #tpu.memory_space<vmem>> -> memref<512x64xf32, #tpu.memory_space<vmem>>
    tpu.wait_dma2 semaphore(%arg10 : memref<!tpu.dma_semaphore, #tpu.memory_space<semaphore_mem>>) src(%dma_wait3A_44 : memref<512x64xf32, #tpu.memory_space<vmem>>) dst(%dma_wait3A_40 : memref<512x64xf32, #tpu.memory_space<hbm>>)
    %add3A_45 = arith.constant 50688 : i32
    %add3A_46 = arith.addi %mul3A_2, %add3A_45 : i32
    %dma_wait3A_47 = arith.constant 1 : i32
    %dma_wait3A_48 = arith.constant 0 : i32
    %dma_wait3A_49 = arith.constant 0 : i32
    %dma_wait3A_50 = tpu.memref_slice %arg6[%dma_wait3A_47, %dma_wait3A_48, %dma_wait3A_49] : memref<2x512x64xf32, #tpu.memory_space<vmem>> -> memref<1x512x64xf32, #tpu.memory_space<vmem>>
    %dma_wait3A_51 = tpu.memref_squeeze %dma_wait3A_50 : memref<1x512x64xf32, #tpu.memory_space<vmem>> -> memref<512x64xf32, #tpu.memory_space<vmem>>
    %dma_wait3A_52 = arith.constant 0 : i32
    %dma_wait3A_53 = tpu.memref_slice %arg4[%add3A_46, %dma_wait3A_52] : memref<1638400x64xf32, #tpu.memory_space<hbm>> -> memref<512x64xf32, #tpu.memory_space<hbm>>
    %dma_wait3A_54 = arith.constant 0 : i32
    %dma_wait3A_55 = tpu.memref_slice %arg4[%add3A_46, %dma_wait3A_54] : memref<1638400x64xf32, #tpu.memory_space<hbm>> -> memref<512x64xf32, #tpu.memory_space<hbm>>
    %dma_wait3A_56 = arith.constant 0 : i32
    %dma_wait3A_57 = arith.constant 0 : i32
    %dma_wait3A_58 = tpu.memref_slice %arg6[%dma_wait3A_47, %dma_wait3A_56, %dma_wait3A_57] : memref<2x512x64xf32, #tpu.memory_space<vmem>> -> memref<1x512x64xf32, #tpu.memory_space<vmem>>
    %dma_wait3A_59 = tpu.memref_squeeze %dma_wait3A_58 : memref<1x512x64xf32, #tpu.memory_space<vmem>> -> memref<512x64xf32, #tpu.memory_space<vmem>>
    tpu.wait_dma2 semaphore(%arg11 : memref<!tpu.dma_semaphore, #tpu.memory_space<semaphore_mem>>) src(%dma_wait3A_59 : memref<512x64xf32, #tpu.memory_space<vmem>>) dst(%dma_wait3A_55 : memref<512x64xf32, #tpu.memory_space<hbm>>)
    return
  }
}

</mosaic_0001>

<sc_bundles>
// kernel: _run.3.cloned.1.call-start
scs
__scs_entry_jumppad:
0x0: {  	(pc) =	sbr.rel $0x88, $3  }
0x1: {  	(tag) =	ssettag $0x0;
	lr =	simm.s32 $0x1  }
0x2: {  	[smem:$0x3F9F] =	sst lr;
	_ =	strace $0xD0000000  }
0x3: {  	_ = 	snop  }
0x4: {  	_ = 	snop  }
0x5: {  	_ = 	snop  }
0x6: {  	_ = 	snop  }
0x7: {  	_ = 	snop  }
__scs_overlays_trampoline_lowered:
0x8: {  	[smem:$0x3FAE] =	sst s0  }
0x9: {  	[smem:$0x3FAF] =	sst s1  }
0xa: {  	[smem:$0x3FB0] =	sst s2  }
0xb: {  	[smem:$0x3FB1] =	sst s3  }
0xc: {  	[smem:$0x3FB2] =	sst s4  }
0xd: {  	[smem:$0x3FB3] =	sst s5  }
0xe: {  	[smem:$0x3FB4] =	sst s6  }
0xf: {  	[smem:$0x3FB5] =	sst s7  }
0x10: {  	[smem:$0x3FB6] =	sst s8  }
0x11: {  	[smem:$0x3FB7] =	sst s9;
	s0 =	simm.s32 @!p0 $0x0  }
0x12: {  	s1 =	sld [smem:$0x3F9D];
	s0 =	simm.s32 @p0 $0x1  }
0x13: {  	[smem:$0x3FB8] =	sst s0;
	s0 =	simm.s32 @!p1 $0x0  }
0x14: {  	s2 =	sld [smem:$0x3F9C];
	s0 =	simm.s32 @p1 $0x1  }
0x15: {  	[smem:$0x3FB9] =	sst s0;
	s0 =	simm.s32 @!p2 $0x0  }
0x16: {  	s3 =	sld [smem:$0x3FDB];
	s0 =	simm.s32 @p2 $0x1  }
0x17: {  	s4 =	simm.s32 $0x1BF5;
	[smem:$0x3FBB] =	sst s0  }
0x18: {  	s0 =	sld [smem:$0x3F9E];
	_ =	swait.ge [sflag:s4], $0x0  }
0x19: {  	s7 =	sld [smem:$0x3F9F]  }
0x1a: {  	s8 =	sadd.s32 $0xFFFFE003, lr  }
0x1b: {  	s9 =	sadd.s32 $0xFFFFFEF7, lr;
	s5 =	simm.s32 $0xFFFFFFFF;
	p2 =	slt.u32 s8, $0xFFFFF086  }
0x1c: {  	p1 =	slt.u32 s9, $0xF7A;
	s5 =	simm.s32 @!p2 $0x0  }
0x1d: {  	s5 =	simm.s32 @p1 $0x1;
	p0 =	seq.s32 s7, s2  }
0x1e: {  	s7 =	smul.u32 @!p0 $0xF7A, s2;
	p2 =	seq.s32 @!p0 s5, $0x0  }
0x1f: {  	s9 =	smul.u32 $0xF7A, s1;
	s8 =	simm.s32 @!p0 $0x1BF5;
	p2 =	por !p2, p0  }
0x20: {  	[sflag:s8] =	ssyncset.s32 @!p0 $0xFFFFF086;
	s6 =	sadd.s32 @!p0 s3, s7;
	s7 =	simm.s32 @!p0 $0x108  }
0x21: {  	s3 =	sadd.s32 s3, s9;
	s6 =	sadd.s32 @!p0 $0x88, s6;
	s7 =	simm.s32 @p2 $0x1082  }
0x22: {  	[simem:s7], [sflag:s8] =	dma.local @!p0 [hbm:s6], $0xF7A  }
0x23: {  	s9 =	sor.u32 $0xD0000000, s2;
	s6 =	simm.s32 $0x108;
	_ =	swait.ge @!p0 [sflag:s8], $0x0  }
0x24: {  	s3 =	sadd.s32 $0x88, s3;
	s6 =	simm.s32 @!p1 $0x1082;
	[sflag:s4] =	ssyncset.s32 $0xFFFFF086  }
0x25: {  	[simem:s6], [sflag:s4] =	dma.local [hbm:s3], $0xF7A  }
0x26: {  	[smem:$0x3F9F] =	sst s1;
	(tag) =	ssettag s2;
	_ =	strace s9  }
0x27: {  	s1 =	sld [smem:$0x3FAF]  }
0x28: {  	s2 =	sld [smem:$0x3FB0]  }
0x29: {  	s4 =	sld [smem:$0x3FB2]  }
0x2a: {  	p0 =	seq.s32 s5, $0x0;
	s5 =	sld [smem:$0x3FB3]  }
0x2b: {  	s6 =	sld [smem:$0x3FB4]  }
0x2c: {  	s7 =	sld [smem:$0x3FB5]  }
0x2d: {  	s3 =	simm.s32 $0x108;
	s8 =	sld [smem:$0x3FB6]  }
0x2e: {  	s3 =	simm.s32 @!p0 $0x1082;
	s9 =	sld [smem:$0x3FB7]  }
0x2f: {  	lr =	sadd.s32 s0, s3;
	s0 =	sld [smem:$0x3FAE]  }
0x30: {  	s3 =	sld [smem:$0x3FB1]  }
0x31: {  	[smem:$0x3FBA] =	sst s10  }
0x32: {  	s10 =	sld [smem:$0x3FB8];
	_ =	sdelay $0x3  }
0x33: {  	p0 =	seq.s32 s10, $0x1;
	s10 =	sld [smem:$0x3FBA];
	_ =	sdelay $0x3  }
0x34: {  	[smem:$0x3FBA] =	sst s10  }
0x35: {  	s10 =	sld [smem:$0x3FB9];
	_ =	sdelay $0x3  }
0x36: {  	p1 =	seq.s32 s10, $0x1;
	s10 =	sld [smem:$0x3FBA];
	_ =	sdelay $0x3  }
0x37: {  	[smem:$0x3FBA] =	sst s10  }
0x38: {  	s10 =	sld [smem:$0x3FBB]  }
0x39: {  	_ = 	snop;
	(pc) =	sbr.ind lr, $3  }
0x3a: {  	_ = 	snop  }
0x3b: {  	_ = 	snop  }
0x3c: {  	p2 =	seq.s32 s10, $0x1;
	s10 =	sld [smem:$0x3FBA]  }
0x3d: {  	_ =	shalt  }
0x3e: {  	_ =	shalt  }
0x3f: {  	_ =	shalt  }
0x40: {  	_ =	shalt  }
0x41: {  	_ =	shalt  }
0x42: {  	_ =	shalt  }
0x43: {  	_ =	shalt  }
0x44: {  	_ =	shalt  }
0x45: {  	_ =	shalt  }
0x46: {  	_ =	shalt  }
0x47: {  	_ =	shalt  }
0x48: {  	_ =	shalt  }
0x49: {  	_ =	shalt  }
0x4a: {  	_ =	shalt  }
0x4b: {  	_ =	shalt  }
0x4c: {  	_ =	shalt  }
0x4d: {  	_ =	shalt  }
0x4e: {  	_ =	shalt  }
0x4f: {  	_ =	shalt  }
0x50: {  	_ =	shalt  }
0x51: {  	_ =	shalt  }
0x52: {  	_ =	shalt  }
0x53: {  	_ =	shalt  }
0x54: {  	_ =	shalt  }
0x55: {  	_ =	shalt  }
0x56: {  	_ =	shalt  }
0x57: {  	_ =	shalt  }
0x58: {  	_ =	shalt  }
0x59: {  	_ =	shalt  }
0x5a: {  	_ =	shalt  }
0x5b: {  	_ =	shalt  }
0x5c: {  	_ =	shalt  }
0x5d: {  	_ =	shalt  }
0x5e: {  	_ =	shalt  }
0x5f: {  	_ =	shalt  }
0x60: {  	_ =	shalt  }
0x61: {  	_ =	shalt  }
0x62: {  	_ =	shalt  }
0x63: {  	_ =	shalt  }
0x64: {  	_ =	shalt  }
0x65: {  	_ =	shalt  }
0x66: {  	_ =	shalt  }
0x67: {  	_ =	shalt  }
0x68: {  	_ =	shalt  }
0x69: {  	_ =	shalt  }
0x6a: {  	_ =	shalt  }
0x6b: {  	_ =	shalt  }
0x6c: {  	_ =	shalt  }
0x6d: {  	_ =	shalt  }
0x6e: {  	_ =	shalt  }
0x6f: {  	_ =	shalt  }
0x70: {  	_ =	shalt  }
0x71: {  	_ =	shalt  }
0x72: {  	_ =	shalt  }
0x73: {  	_ =	shalt  }
0x74: {  	_ =	shalt  }
0x75: {  	_ =	shalt  }
0x76: {  	_ =	shalt  }
0x77: {  	_ =	shalt  }
0x78: {  	_ =	shalt  }
0x79: {  	_ =	shalt  }
0x7a: {  	_ =	shalt  }
0x7b: {  	_ =	shalt  }
0x7c: {  	_ =	shalt  }
0x7d: {  	_ =	shalt  }
0x7e: {  	_ =	shalt  }
0x7f: {  	_ =	shalt  }
0x80: {  	_ =	shalt  }
0x81: {  	_ =	shalt  }
0x82: {  	_ =	shalt  }
0x83: {  	_ =	shalt  }
0x84: {  	_ =	shalt  }
0x85: {  	_ =	shalt  }
0x86: {  	_ =	shalt  }
0x87: {  	_ =	shalt  }
.Lfunc_end0:
.L_simem_size_0:
called_computation.1_lowered:
.L_overlay_start_0:
0x88: {  	s2 =	sld [smem:$0x3FD9]  }
0x89: {  	s3 =	sld [smem:$0x3FFE];
	_ =	sdelay $0x1  }
0x8a: {  	s1 =	srdreg.scid  }
0x8b: {  	s0 =	sand.u32 $0x1, s1  }
0x8c: {  	s17 =	sshll.u32 s0, $0xA;
	s2 =	sadd.s32 s3, s2  }
0x8d: {  	s2 =	sadd.s32 s2, s17  }
0x8e: {  	[smem:$0x3FC6] =	sst s2  }
0x8f: {  	_ = 	snop  }
0x90: {  	s2 =	sld [smem:$0x3FC9]  }
0x91: {  	s18 =	sld [smem:$0x3FD0];
	(tm) =	ssettm $0x1  }
0x92: {  	s4 =	sld [smem:$0x3FFB];
	_ =	sdelay $0x3  }
0x93: {  	_ =	strace s4  }
0x94: {  	s4 =	sld [smem:$0x3FFC];
	_ =	sdelay $0x3  }
0x95: {  	_ =	strace s4  }
0x96: {  	s4 =	sld [smem:$0x3FFD];
	_ =	sdelay $0x3  }
0x97: {  	_ =	strace s4  }
0x98: {  	_ =	strace $0x8FFFFFFF  }
0x99: {  	s19 =	sld [smem:$0x3FDB];
	_ =	sdelay $0x1  }
0x9a: {  	s5 =	simm.s32 $_scs_section_size  }
0x9b: {  	s6 =	simm.s32 $_size__tile_overlayer_lowered;
	s7 =	simm.s32 $_tile_overlayer_lowered  }
0x9c: {  	s22 =	simm.s32 $0x1BFF;
	s21 =	sshll.u32 s7, $0x1;
	s4 =	sadd.s32 s5, s19  }
0x9d: {  	s8 =	simm.s32 $0x0;
	s20 =	sshll.u32 s6, $0x1;
	s6 =	sadd.s32 s21, s4  }
0x9e: {  	[timem:s8], [sflag:s22] =	dma.local [hbm:s6], s20  }
0x9f: {  	_ =	swait.ge [sflag:s22], s20  }
0xa0: {  	s5 =	ssub.s32 $0x0, s20;
	[sflag:s22] =	ssyncset.done $0x0  }
0xa1: {  	[sflag:s22] =	ssyncadd.s32 s5;
	_ =	sdelay $0x1  }
0xa2: {  	s23 =	simm.s32 $0x1B8B  }
0xa3: {  	_ =	swait.ge [sflag:s23], $0x1  }
0xa4: {  	[sflag:s23] =	ssyncset.done $0x0  }
0xa5: {  	s25 =	simm.s32 $0x1B8E;
	s24 =	sld [smem:$0x3FFE];
	[sflag:s23] =	ssyncadd.s32 $0xFFFFFFFF  }
0xa6: {  	s26 =	simm.s32 $execute0_lowered;
	[smem:$0x3FD2] =	sst s25  }
0xa7: {  	s6 =	sshll.u32 s26, $0x1;
	_ =	strace $0x80000046;
	[dreg:$0x1] =	wrdreg $0xFFFFFFFF  }
0xa8: {  	s28 =	simm.s32 $_size_execute0_lowered;
	s4 =	sadd.s32 s4, s6;
	[dreg:$0x0] =	wrdreg $0x0  }
0xa9: {  	s6 =	sshll.u32 s28, $0x1;
	[dreg:$0x2] =	wrdreg s4  }
0xaa: {  	[dreg:$0x3] =	wrdreg s6  }
0xab: {  	[dreg:$0x4] =	wrdreg $0xC0  }
0xac: {  	_ =	task [dreg:s8], $0x5FFFF  }
0xad: {  	[dreg:$0x1] =	wrdreg $0xFFFFFFFF  }
0xae: {  	[dreg:$0x0] =	wrdreg $0x60  }
0xaf: {  	[dreg:$0x2] =	wrdreg s2  }
0xb0: {  	[dreg:$0x3] =	wrdreg s24  }
0xb1: {  	[dreg:$0x4] =	wrdreg s18  }
0xb2: {  	[dreg:$0x5] =	wrdreg $0x104000  }
0xb3: {  	[dreg:$0x6] =	wrdreg $0x9  }
0xb4: {  	_ =	task.clear_ibuf [dreg:s8], $0x7FFFF;
	_ =	strace $0x90000046  }
0xb5: {  	s29 =	simm.s32 $0x9;
	_ =	strace $0x80000048  }
0xb6: {  	_ =	swait.ge [sflag:s29], $0x1  }
0xb7: {  	[sflag:s29] =	ssyncadd.s32 $0xFFFFFFFF  }
0xb8: {  	_ =	strace $0x90000048  }
0xb9: {  	_ =	sfence  }
0xba: {  	s30 =	sld [smem:$0x0];
	_ =	sdelay $0x2  }
0xbb: {  	s31 =	sshll.u32 s1, $0xD;
	s1 =	sshrl.u32 s1, $0x2  }
0xbc: {  	s3 =	sand.u32 $0x4000, s31;
	s1 =	sadd.s32 s1, s30  }
0xbd: {  	s0 =	sor.u32 s3, s0;
	s1 =	sshll.u32 s1, $0x11  }
0xbe: {  	s0 =	sor.u32 s1, s0  }
0xbf: {  	s0 =	sadd.s32 $0x8F2B, s0  }
0xc0: {  	[sflag:s0] =	ssyncadd.remote.s32 $0x1  }
0xc1: {  	_ =	sfence.sel $0xFFFF  }
0xc2: {  	[dreg:$0x0] =	wrdreg $0xFFFFFFFF;
	(pc) =	sbr.abs _section_cstart, $3  }
0xc3: {  	[dreg:$0x1] =	wrdreg $0xFFFFFFFF  }
0xc4: {  	_ =	task.clear_ibuf [dreg:s8], $0x2FFFF;
	_ =	strace $0x9FFFFFFF  }
0xc5: {  	(tm) =	ssettm $0x7FFFFFFF  }
tec
execute0_lowered:
.L_overlay_start_1:
0x0: {  	(tag) =	ssettag $0x1  }
0x1: {  	s0 =	rddreg [dreg:$0x0]  }
0x2: {  	s3 =	rddreg [dreg:$0x1]  }
0x3: {  	s1 =	srdreg.scid;
	s5 =	stileid.u32  }
0x4: {  	s6 =	rddreg [dreg:$0x2];
	s13 =	simm.s32 $0x400;
	s14 =	simm.s32 $0x2400  }
0x5: {  	s15 =	simm.s32 $0x100;
	s16 =	simm.s32 $0x4400;
	s17 =	simm.s32 $0x180  }
0x6: {  	s28 =	simm.s32 $0xE400;
	s30 =	simm.s32 $0x4;
	s31 =	simm.s32 $0x0  }
0x7: {  	s4 =	sand.u32 $0x1, s1;
	s2 =	sshll.u32 s5, $0x1;
	s8 =	smul.u32 $0x640000, s5  }
0x8: {  	s1 =	rddreg [dreg:$0x3];
	s3 =	sadd.s32 $0x800, s3;
	s10 =	smul.u32 $0x19000, s5  }
0x9: {  	p0 =	sne.s32 s5, $0x0;
	s7 =	sor.u32 s4, s2;
	s9 =	smul.u32 $0x320000, s4  }
0xa: {  	s2 =	simm.s32 $0x0;
	s18 =	ssub.s32 $0x2, s4;
	s12 =	smul.u32 $0xC800, s4  }
0xb: {  	s7 =	smul.u32 $0xC800, s7;
	[smem:$0x7FF] =	sst s2;
	s11 =	sshrl.u32 s18, $0x1  }
0xc: {  	_ =	strace $0x80000047;
	[dreg:$0x7] =	wrdreg s3;
	s3 =	ssub.s32 s18, s11  }
0xd: {  	s20 =	sadd.s32 s9, s8;
	s21 =	sadd.s32 s12, s10;
	s10 =	simm.s32 $0x200  }
0xe: {  	s11 =	simm.s32 $0x1;
	s12 =	simm.s32 $0x80;
	s18 =	simm.s32 $0x6400  }
0xf: {  	s7 =	sshrl.u32 s7, $0x3;
	s3 =	smax.u32 s3, $0x1;
	s23 =	sor.u32 $0x600, s21  }
0x10: {  	s25 =	sshll.u32 s21, $0x3;
	s29 =	sor.u32 $0x400, s21;
	s21 =	simm.s32 $0x8400  }
0x11: {  	s19 =	sadd.s32 s0, s7;
	s7 =	sshrl.u32 s20, $0x3;
	[dreg:$0xa] =	wrdreg s3  }
0x12: {  	s24 =	sshrl.u32 s23, $0x3;
	s26 =	sadd.s32 s25, s6;
	s20 =	simm.s32 $0x2  }
0x13: {  	s23 =	simm.s32 $0xA400;
	s25 =	simm.s32 $0xC400;
	[dreg:$0x8] =	wrdreg s19  }
0x14: {  	s4 =	sadd.s32 $0x40, s19;
	s22 =	sadd.s32 s7, s6;
	s7 =	sadd.s32 s24, s0  }
0x15: {  	s3 =	sadd.s32 $0x1000, s26;
	s6 =	sshrl.u32 s29, $0x3;
	[dreg:$0x9] =	wrdreg s4  }
0x16: {  	s19 =	simm.s32 $0x5;
	s24 =	simm.s32 $0x300;
	[dreg:$0x5] =	wrdreg s22  }
0x17: {  	[dreg:$0x6] =	wrdreg s3;
	s8 =	sadd.s32 s6, s0;
	s0 =	sshrl.u32 @!p0 s1, $0x3  }
0x18: {  	s26 =	simm.s32 $0x380;
	s22 =	simm.s32 $0x280;
	[dreg:$0xb] =	wrdreg s0  }
.LBB2_1:
0x19: {  	s3 =	rddreg [dreg:$0x7]  }
0x1a: {  	s0 =	simm.s32 @!p0 $0x1C06;
	s4 =	rddreg [dreg:$0xb]  }
0x1b: {  	[spmem:s4], [sflag:s0] =	dma.local @!p0 [hbm:s3], $0x480  }
0x1c: {  	s0 =	simm.s32 @!p0 $0x6  }
0x1d: {  	_ =	swait.ge @!p0 [sflag:s0], $0x480  }
0x1e: {  	[sflag:s0] =	ssyncset.done @!p0 $0x0  }
0x1f: {  	[sflag:s0] =	ssyncadd.s32 @!p0 $0xFFFFFB80  }
0x20: {  	[bflag:$0x0] =	sbarrier.arrive $0xFFFF  }
0x21: {  	s6 =	rddreg [dreg:$0x8]  }
0x22: {  	[tilespmem:s2], [sflag:$0x1] =	stream.linear.gather [hbm4b:s6+s2], $0x200, $0x38;
	[tilespmem:$0x10640] =	vst v63  }
0x23: {  	s9 =	rddreg [dreg:$0x9]  }
0x24: {  	[tilespmem:s10], [sflag:$0x2] =	stream.linear.gather [hbm4b:s9+s2], $0x200, $0x38;
	[tilespmem:$0x10640] =	vst v63  }
0x25: {  	_ =	swait.ge [sflag:s11], $0x200  }
0x26: {  	p1 =	por $0x1, $0x1;
	[sflag:s11] =	ssyncset.done $0x0  }
0x27: {  	s0 =	simm.s32 @!p1 $0x3;
	[sflag:s11] =	ssyncadd.s32 $0xFFFFFE00  }
0x28: {  	_ =	swait.ge @!p1 [sflag:s0], $0x8000  }
0x29: {  	[sflag:s0] =	ssyncset.done @!p1 $0x0  }
0x2a: {  	[sflag:s0] =	ssyncadd.s32 @!p1 $0xFFFF8000  }
0x2b: {  	[tilespmem:s13], [sflag:$0x5] =	stream.indirect.gather [spmem:s1], $0x40, s2, s12, $0xb8;
	[tilespmem:$0x10640] =	vst v63  }
0x2c: {  	_ = 	snop  }
0x2d: {  	[tilespmem:s14], [sflag:$0x5] =	stream.indirect.gather [spmem:s1], $0x40, s12, s12, $0xb8;
	[tilespmem:$0x10640] =	vst v63  }
0x2e: {  	_ = 	snop  }
0x2f: {  	[tilespmem:s16], [sflag:$0x5] =	stream.indirect.gather [spmem:s1], $0x40, s15, s12, $0xb8;
	[tilespmem:$0x10640] =	vst v63  }
0x30: {  	_ = 	snop  }
0x31: {  	[tilespmem:s18], [sflag:$0x5] =	stream.indirect.gather [spmem:s1], $0x40, s17, s12, $0xb8;
	[tilespmem:$0x10640] =	vst v63  }
0x32: {  	_ =	swait.ge [sflag:s19], $0x2000  }
0x33: {  	[sflag:s19] =	ssyncset.done $0x0  }
0x34: {  	[sflag:s19] =	ssyncadd.s32 $0xFFFFE000  }
0x35: {  	_ =	swait.ge [sflag:s19], $0x2000  }
0x36: {  	[sflag:s19] =	ssyncset.done $0x0  }
0x37: {  	[sflag:s19] =	ssyncadd.s32 $0xFFFFE000  }
0x38: {  	_ =	swait.ge [sflag:s19], $0x2000  }
0x39: {  	[sflag:s19] =	ssyncset.done $0x0  }
0x3a: {  	[sflag:s19] =	ssyncadd.s32 $0xFFFFE000  }
0x3b: {  	_ =	swait.ge [sflag:s19], $0x2000  }
0x3c: {  	p2 =	por $0x0, $0x0;
	[sflag:s19] =	ssyncset.done $0x0  }
0x3d: {  	s3 =	simm.s32 @!p2 $0x0;
	s29 =	rddreg [dreg:$0x5];
	[sflag:s19] =	ssyncadd.s32 $0xFFFFE000  }
0x3e: {  	[tilespmem:s3], [sflag:$0x1] =	stream.linear.gather @!p2 [hbm4b:s8+s3], $0x200, $0x38;
	[tilespmem:$0x10640] =	vst v63  }
0x3f: {  	s0 =	sadd.s32 $0x0, s29  }
0x40: {  	[hbm4b:s0+s2] =	stream.linear.scatter [tilespmem:s13], [sflag:$0x3], $0x8000, $0x38;
	[tilespmem:$0x10640] =	vst v63  }
0x41: {  	_ =	swait.ge [sflag:s20], $0x200  }
0x42: {  	[sflag:s20] =	ssyncset.done $0x0  }
0x43: {  	s0 =	simm.s32 @!p1 $0x4;
	[sflag:s20] =	ssyncadd.s32 $0xFFFFFE00  }
0x44: {  	_ =	swait.ge @!p1 [sflag:s0], $0x8000  }
0x45: {  	[sflag:s0] =	ssyncset.done @!p1 $0x0  }
0x46: {  	[sflag:s0] =	ssyncadd.s32 @!p1 $0xFFFF8000  }
0x47: {  	[tilespmem:s21], [sflag:$0x5] =	stream.indirect.gather [spmem:s1], $0x40, s10, s12, $0xb8;
	[tilespmem:$0x10640] =	vst v63  }
0x48: {  	_ = 	snop  }
0x49: {  	[tilespmem:s23], [sflag:$0x5] =	stream.indirect.gather [spmem:s1], $0x40, s22, s12, $0xb8;
	[tilespmem:$0x10640] =	vst v63  }
0x4a: {  	_ = 	snop  }
0x4b: {  	[tilespmem:s25], [sflag:$0x5] =	stream.indirect.gather [spmem:s1], $0x40, s24, s12, $0xb8;
	[tilespmem:$0x10640] =	vst v63  }
0x4c: {  	_ = 	snop  }
0x4d: {  	[tilespmem:s28], [sflag:$0x5] =	stream.indirect.gather [spmem:s1], $0x40, s26, s12, $0xb8;
	[tilespmem:$0x10640] =	vst v63  }
0x4e: {  	_ =	swait.ge [sflag:s19], $0x2000  }
0x4f: {  	[sflag:s19] =	ssyncset.done $0x0  }
0x50: {  	[sflag:s19] =	ssyncadd.s32 $0xFFFFE000  }
0x51: {  	_ =	swait.ge [sflag:s19], $0x2000  }
0x52: {  	[sflag:s19] =	ssyncset.done $0x0  }
0x53: {  	[sflag:s19] =	ssyncadd.s32 $0xFFFFE000  }
0x54: {  	_ =	swait.ge [sflag:s19], $0x2000  }
0x55: {  	[sflag:s19] =	ssyncset.done $0x0  }
0x56: {  	[sflag:s19] =	ssyncadd.s32 $0xFFFFE000  }
0x57: {  	_ =	swait.ge [sflag:s19], $0x2000  }
0x58: {  	[sflag:s19] =	ssyncset.done $0x0;
	s5 =	rddreg [dreg:$0x6]  }
0x59: {  	s0 =	simm.s32 @!p2 $0x200;
	[sflag:s19] =	ssyncadd.s32 $0xFFFFE000;
	s6 =	sadd.s32 $0x0, s5  }
0x5a: {  	[tilespmem:s0], [sflag:$0x2] =	stream.linear.gather @!p2 [hbm4b:s7+s3], $0x200, $0x38;
	[tilespmem:$0x10640] =	vst v63  }
0x5b: {  	s5 =	sadd.s32 $0x80, s8;
	s0 =	simm.s32 $0x2000;
	s3 =	sadd.s32 $0x80, s7  }
.LBB2_2:
0x5c: {  	[hbm4b:s6+s2] =	stream.linear.scatter [tilespmem:s21], [sflag:$0x4], $0x8000, $0x38;
	[tilespmem:$0x10640] =	vst v63  }
0x5d: {  	s6 =	smov.u32 s0;
	_ =	swait.ge [sflag:s11], $0x200  }
0x5e: {  	p2 =	seq.s32 s6, $0x0;
	[sflag:s11] =	ssyncset.done $0x0  }
0x5f: {  	s4 =	simm.s32 @!p2 $0x3;
	[sflag:s11] =	ssyncadd.s32 $0xFFFFFE00  }
0x60: {  	_ =	swait.ge @!p2 [sflag:s4], $0x8000  }
0x61: {  	[sflag:s4] =	ssyncset.done @!p2 $0x0  }
0x62: {  	[sflag:s4] =	ssyncadd.s32 @!p2 $0xFFFF8000  }
0x63: {  	[tilespmem:s13], [sflag:$0x5] =	stream.indirect.gather [spmem:s1], $0x40, s2, s12, $0xb8;
	[tilespmem:$0x10640] =	vst v63  }
0x64: {  	_ = 	snop  }
0x65: {  	[tilespmem:s14], [sflag:$0x5] =	stream.indirect.gather [spmem:s1], $0x40, s12, s12, $0xb8;
	[tilespmem:$0x10640] =	vst v63  }
0x66: {  	_ = 	snop  }
0x67: {  	[tilespmem:s16], [sflag:$0x5] =	stream.indirect.gather [spmem:s1], $0x40, s15, s12, $0xb8;
	[tilespmem:$0x10640] =	vst v63  }
0x68: {  	_ = 	snop  }
0x69: {  	[tilespmem:s18], [sflag:$0x5] =	stream.indirect.gather [spmem:s1], $0x40, s17, s12, $0xb8;
	[tilespmem:$0x10640] =	vst v63  }
0x6a: {  	_ =	swait.ge [sflag:s19], $0x2000  }
0x6b: {  	[sflag:s19] =	ssyncset.done $0x0  }
0x6c: {  	[sflag:s19] =	ssyncadd.s32 $0xFFFFE000  }
0x6d: {  	_ =	swait.ge [sflag:s19], $0x2000  }
0x6e: {  	[sflag:s19] =	ssyncset.done $0x0  }
0x6f: {  	[sflag:s19] =	ssyncadd.s32 $0xFFFFE000  }
0x70: {  	_ =	swait.ge [sflag:s19], $0x2000  }
0x71: {  	[sflag:s19] =	ssyncset.done $0x0  }
0x72: {  	[sflag:s19] =	ssyncadd.s32 $0xFFFFE000  }
0x73: {  	_ =	swait.ge [sflag:s19], $0x2000  }
0x74: {  	p3 =	seq.s32 s6, $0x62000;
	[sflag:s19] =	ssyncset.done $0x0  }
0x75: {  	s9 =	simm.s32 @!p3 $0x0;
	s29 =	rddreg [dreg:$0x5];
	[sflag:s19] =	ssyncadd.s32 $0xFFFFE000  }
0x76: {  	[tilespmem:s9], [sflag:$0x1] =	stream.linear.gather @!p3 [hbm4b:s5+s9], $0x200, $0x38;
	[tilespmem:$0x10640] =	vst v63  }
0x77: {  	s4 =	sadd.s32 s6, s29  }
0x78: {  	[hbm4b:s4+s2] =	stream.linear.scatter [tilespmem:s13], [sflag:$0x3], $0x8000, $0x38;
	[tilespmem:$0x10640] =	vst v63  }
0x79: {  	_ =	swait.ge [sflag:s20], $0x200  }
0x7a: {  	[sflag:s20] =	ssyncset.done $0x0  }
0x7b: {  	s4 =	simm.s32 @!p2 $0x4;
	[sflag:s20] =	ssyncadd.s32 $0xFFFFFE00  }
0x7c: {  	_ =	swait.ge @!p2 [sflag:s4], $0x8000  }
0x7d: {  	[sflag:s4] =	ssyncset.done @!p2 $0x0  }
0x7e: {  	[sflag:s4] =	ssyncadd.s32 @!p2 $0xFFFF8000  }
0x7f: {  	[tilespmem:s21], [sflag:$0x5] =	stream.indirect.gather [spmem:s1], $0x40, s10, s12, $0xb8;
	[tilespmem:$0x10640] =	vst v63  }
0x80: {  	_ = 	snop  }
0x81: {  	[tilespmem:s23], [sflag:$0x5] =	stream.indirect.gather [spmem:s1], $0x40, s22, s12, $0xb8;
	[tilespmem:$0x10640] =	vst v63  }
0x82: {  	_ = 	snop  }
0x83: {  	[tilespmem:s25], [sflag:$0x5] =	stream.indirect.gather [spmem:s1], $0x40, s24, s12, $0xb8;
	[tilespmem:$0x10640] =	vst v63  }
0x84: {  	_ = 	snop  }
0x85: {  	[tilespmem:s28], [sflag:$0x5] =	stream.indirect.gather [spmem:s1], $0x40, s26, s12, $0xb8;
	[tilespmem:$0x10640] =	vst v63  }
0x86: {  	_ =	swait.ge [sflag:s19], $0x2000  }
0x87: {  	[sflag:s19] =	ssyncset.done $0x0  }
0x88: {  	[sflag:s19] =	ssyncadd.s32 $0xFFFFE000  }
0x89: {  	_ =	swait.ge [sflag:s19], $0x2000  }
0x8a: {  	[sflag:s19] =	ssyncset.done $0x0  }
0x8b: {  	[sflag:s19] =	ssyncadd.s32 $0xFFFFE000  }
0x8c: {  	_ =	swait.ge [sflag:s19], $0x2000  }
0x8d: {  	s0 =	sadd.s32 $0x2000, s0;
	[sflag:s19] =	ssyncset.done $0x0  }
0x8e: {  	p1 =	sne.s32 s0, $0x64000;
	[sflag:s19] =	ssyncadd.s32 $0xFFFFE000  }
.Ltmp0:
0x8f: {  	_ =	swait.ge [sflag:s19], $0x2000;
	(pc) =	sbr.rel @p1 .LBB2_2-.Ltmp0, $4  }
0x90: {  	[sflag:s19] =	ssyncset.done $0x0  }
0x91: {  	s29 =	simm.s32 @!p3 $0x200;
	s4 =	rddreg [dreg:$0x6];
	[sflag:s19] =	ssyncadd.s32 $0xFFFFE000  }
0x92: {  	[tilespmem:s29], [sflag:$0x2] =	stream.linear.gather @!p3 [hbm4b:s3+s9], $0x200, $0x38;
	[tilespmem:$0x10640] =	vst v63  }
0x93: {  	s5 =	sadd.s32 $0x80, s5;
	s6 =	sadd.s32 s6, s4;
	s3 =	sadd.s32 $0x80, s3  }
0x94: {  	[hbm4b:s6+s2] =	stream.linear.scatter [tilespmem:s21], [sflag:$0x4], $0x8000, $0x38;
	[tilespmem:$0x10640] =	vst v63  }
0x95: {  	s0 =	simm.s32 $0x3  }
0x96: {  	_ =	swait.ge [sflag:s0], $0x8000  }
0x97: {  	[sflag:s0] =	ssyncset.done $0x0  }
0x98: {  	[sflag:s0] =	ssyncadd.s32 $0xFFFF8000  }
0x99: {  	_ =	swait.ge [sflag:s30], $0x8000  }
0x9a: {  	s31 =	sadd.s32 $0x1, s31;
	s29 =	rddreg [dreg:$0xa]  }
0x9b: {  	p1 =	sne.s32 s31, s29  }
.Ltmp1:
0x9c: {  	_ = 	snop;
	(pc) =	sbr.rel @p1 .LBB2_1-.Ltmp1, $3  }
0x9d: {  	_ =	sdelay $0x1  }
0x9e: {  	[sflag:s30] =	ssyncset.done $0x0  }
0x9f: {  	[sflag:s30] =	ssyncadd.s32 $0xFFFF8000  }
0xa0: {  	_ =	sfence.sel $0x180000  }
0xa1: {  	[bflag:$0x0] =	sbarrier.arrive $0xFFFF  }
0xa2: {  	_ =	strace $0x90000047  }
0xa3: {  	[bflag:$0x2] =	sbarrier.arrive $0xFFFF  }
0xa4: {  	s0 =	rddreg [dreg:$0x4]  }
0xa5: {  	s0 =	sadd.s32 @!p0 $0x100000, s0  }
0xa6: {  	[sflag:s0] =	ssyncadd.tile.s32 @!p0 $0x1;
	_ =	shalt  }
.Lfunc_end2:
_tile_overlayer_lowered:
.L_overlay_start_2:
0xa7: {  	(tag) =	ssettag $0x2  }
0xa8: {  	s0 =	rddreg [dreg:$0x0];
	s2 =	stileid.u32  }
0xa9: {  	s1 =	rddreg [dreg:$0x1];
	p0 =	sne.s32 s2, $0x0  }
0xaa: {  	s3 =	rddreg [dreg:$0x2];
	[bflag:$0x3] =	sbarrier.arrive $0xFFFF;
	s2 =	simm.s32 @!p0 $0x1C06  }
0xab: {  	[timem:s3], [sflag:s2] =	dma.local @!p0 [hbm:s0], s1  }
0xac: {  	s0 =	simm.s32 @!p0 $0x6  }
0xad: {  	_ =	swait.ge @!p0 [sflag:s0], s1  }
0xae: {  	s1 =	ssub.s32 @!p0 $0x0, s1;
	[sflag:s0] =	ssyncset.done @!p0 $0x0  }
0xaf: {  	[sflag:s0] =	ssyncadd.s32 @!p0 s1  }
0xb0: {  	[bflag:$0x3] =	sbarrier.arrive $0xFFFF  }
0xb1: {  	_ =	shalt  }

// kernel: sparse-core-data-format-call.cloned.1.call-start
scs
called_computation_lowered:
.L_overlay_start_0:
0x0: {  	s2 =	sld [smem:$0x3FD9]  }
0x1: {  	s3 =	sld [smem:$0x3FFE];
	_ =	sdelay $0x1  }
0x2: {  	s1 =	srdreg.scid  }
0x3: {  	s0 =	sand.u32 $0x1, s1  }
0x4: {  	s18 =	sshll.u32 s0, $0xA;
	s2 =	sadd.s32 s3, s2  }
0x5: {  	s2 =	sadd.s32 s2, s18  }
0x6: {  	[smem:$0x3FC6] =	sst s2  }
0x7: {  	_ = 	snop  }
0x8: {  	s2 =	sld [smem:$0x3FD0];
	(tm) =	ssettm $0x1  }
0x9: {  	s19 =	sld [smem:$0x3FFB];
	_ =	sdelay $0x3  }
0xa: {  	_ =	strace s19  }
0xb: {  	s3 =	sld [smem:$0x3FFC];
	_ =	sdelay $0x3  }
0xc: {  	_ =	strace s3  }
0xd: {  	s3 =	sld [smem:$0x3FFD];
	_ =	sdelay $0x3  }
0xe: {  	_ =	strace s3  }
0xf: {  	_ =	strace $0x8FFFFFFF  }
0x10: {  	s20 =	sld [smem:$0x3FDB];
	_ =	sdelay $0x1  }
0x11: {  	s4 =	simm.s32 $_scs_section_size  }
0x12: {  	s5 =	simm.s32 $_size__tile_overlayer_lowered;
	s6 =	simm.s32 $_tile_overlayer_lowered  }
0x13: {  	s23 =	simm.s32 $0x1BFF;
	s22 =	sshll.u32 s6, $0x1;
	s3 =	sadd.s32 s4, s20  }
0x14: {  	s7 =	simm.s32 $0x0;
	s21 =	sshll.u32 s5, $0x1;
	s5 =	sadd.s32 s22, s3  }
0x15: {  	[timem:s7], [sflag:s23] =	dma.local [hbm:s5], s21  }
0x16: {  	_ =	swait.ge [sflag:s23], s21  }
0x17: {  	s4 =	ssub.s32 $0x0, s21;
	[sflag:s23] =	ssyncset.done $0x0  }
0x18: {  	[sflag:s23] =	ssyncadd.s32 s4;
	_ =	sdelay $0x1  }
0x19: {  	s24 =	simm.s32 $0x1B8B  }
0x1a: {  	_ =	swait.ge [sflag:s24], $0x1  }
0x1b: {  	[sflag:s24] =	ssyncset.done $0x0  }
0x1c: {  	s26 =	simm.s32 $0x1B8E;
	s25 =	sld [smem:$0x3FFE];
	[sflag:s24] =	ssyncadd.s32 $0xFFFFFFFF  }
0x1d: {  	s27 =	simm.s32 $execute0_lowered;
	[smem:$0x3FD2] =	sst s26  }
0x1e: {  	s5 =	sshll.u32 s27, $0x1;
	_ =	strace $0x80000049;
	[dreg:$0x1] =	wrdreg $0xFFFFFFFF  }
0x1f: {  	s28 =	simm.s32 $_size_execute0_lowered;
	s3 =	sadd.s32 s3, s5;
	[dreg:$0x0] =	wrdreg $0x0  }
0x20: {  	s5 =	sshll.u32 s28, $0x1;
	[dreg:$0x2] =	wrdreg s3  }
0x21: {  	[dreg:$0x3] =	wrdreg s5  }
0x22: {  	[dreg:$0x4] =	wrdreg $0xC0  }
0x23: {  	_ =	task [dreg:s7], $0x5FFFF  }
0x24: {  	[dreg:$0x1] =	wrdreg $0xFFFFFFFF  }
0x25: {  	[dreg:$0x0] =	wrdreg $0x60  }
0x26: {  	[dreg:$0x2] =	wrdreg s25  }
0x27: {  	[dreg:$0x3] =	wrdreg s2  }
0x28: {  	[dreg:$0x4] =	wrdreg $0x9  }
0x29: {  	_ =	task.clear_ibuf [dreg:s7], $0x5FFFF;
	_ =	strace $0x90000049  }
0x2a: {  	s29 =	simm.s32 $0x9;
	_ =	strace $0x8000004B  }
0x2b: {  	_ =	swait.ge [sflag:s29], $0x1  }
0x2c: {  	[sflag:s29] =	ssyncadd.s32 $0xFFFFFFFF  }
0x2d: {  	_ =	strace $0x9000004B  }
0x2e: {  	_ =	sfence  }
0x2f: {  	s30 =	sld [smem:$0x0];
	_ =	sdelay $0x2  }
0x30: {  	s31 =	sshll.u32 s1, $0xD;
	s1 =	sshrl.u32 s1, $0x2  }
0x31: {  	s3 =	sand.u32 $0x4000, s31;
	s1 =	sadd.s32 s1, s30  }
0x32: {  	s0 =	sor.u32 s3, s0;
	s1 =	sshll.u32 s1, $0x11  }
0x33: {  	s0 =	sor.u32 s1, s0  }
0x34: {  	s0 =	sadd.s32 $0x8F2B, s0  }
0x35: {  	[sflag:s0] =	ssyncadd.remote.s32 $0x1  }
0x36: {  	_ =	sfence.sel $0xFFFF  }
0x37: {  	[dreg:$0x0] =	wrdreg $0xFFFFFFFF;
	(pc) =	sbr.abs _section_cstart, $3  }
0x38: {  	[dreg:$0x1] =	wrdreg $0xFFFFFFFF  }
0x39: {  	_ =	task.clear_ibuf [dreg:s7], $0x2FFFF;
	_ =	strace $0x9FFFFFFF  }
0x3a: {  	(tm) =	ssettm $0x7FFFFFFF  }
0x3b: {  	_ =	shalt  }
tec
execute0_lowered:
.L_overlay_start_1:
0x0: {  	(tag) =	ssettag $0x1  }
0x1: {  	s0 =	srdreg.scid  }
0x2: {  	s1 =	sshll.u32 s0, $0x4  }
0x3: {  	s4 =	rddreg [dreg:$0x0];
	s0 =	stileid.u32;
	s1 =	sand.u32 $0x10, s1  }
0x4: {  	s2 =	rddreg [dreg:$0x1];
	s7 =	simm.s32 $0x1;
	s1 =	sor.u32 s0, s1  }
0x5: {  	s8 =	simm.s32 $0x2;
	s11 =	simm.s32 $0x0;
	s3 =	sshll.u32 s1, $0x7  }
0x6: {  	s10 =	simm.s32 $0x0;
	s4 =	sadd.s32 $0x800, s4;
	s6 =	ssub.s32 $0x190000, s3  }
.Ltmp0:
0x7: {  	s1 =	rddreg [dreg:$0x2];
	s5 =	sand.u32 $0xF80, s6;
	(pc) =	sbr.rel .LBB1_1-.Ltmp0, $4  }
0x8: {  	_ =	strace $0x8000004A;
	s9 =	smov.u32 s3;
	p0 =	sne.s32 s5, $0x0  }
0x9: {  	s6 =	sshrl.u32 s6, $0xC;
	s5 =	simm.s32 $0x1;
	s7 =	simm.s32 @!p0 $0x0  }
0xa: {  	[sflag:s5] =	ssyncpa.u1 $0x0;
	p0 =	por $0x0, $0x0;
	s6 =	sadd.s32 s7, s6  }
0xb: {  	[sflag:s8] =	ssyncpa.u1 $0x0;
	s8 =	simm.s32 $0xC80000;
	s7 =	sadd.s32 $0x1, s6  }
.LBB1_4:
0xc: {  	s14 =	sshll.u32 s11, $0x3  }
0xd: {  	s30 =	sand.u32 $0x7F, s11;
	s15 =	sand.u32 $0xFFFFFC00, s14  }
0xe: {  	s11 =	sor.u32 s30, s15  }
0xf: {  	s15 =	smulhi.u32 $0x51EB851F, s11  }
0x10: {  	s14 =	smulhi.u32 $0x51EB851F, s14  }
0x11: {  	s15 =	sshrl.u32 s15, $0x13  }
0x12: {  	s14 =	sshrl.u32 s14, $0x13;
	s15 =	smul.u32 $0x190000, s15  }
0x13: {  	s14 =	sand.u32 $0x3F, s14  }
0x14: {  	s14 =	smul.u32 $0x32000, s14;
	s11 =	ssub.s32 s11, s15  }
0x15: {  	[tilespmem:s13+$0x810 ss:$0x81] =	vst.msk $0xffff, v2;
	s15 =	sand.u32 $0x7, s11  }
0x16: {  	[tilespmem:s13+$0x1020 ss:$0x81] =	vst.msk $0xffff, v0;
	s14 =	sadd.s32 s2, s14;
	s11 =	sshrl.u32 s11, $0x3;
	s15 =	sshll.u32 s15, $0x12  }
0x17: {  	[tilespmem:s13+$0x0 ss:$0x81] =	vst.msk $0xffff, v1;
	s11 =	sadd.s32 s11, s14;
	s31 =	sor.u32 $0x400, s15  }
0x18: {  	[hbm4b:s11+s31] =	stream.strided.scatter [tilespmem:s12], [sflag:$0x2], $0x2000, s8, s31, $0x20;
	[tilespmem:$0x8080] =	vst v63  }
.LBB1_5:
0x19: {  	s13 =	sadd.s32 $0x1000, s9  }
0x1a: {  	p2 =	sgt.s32 s13, $0x18FFFF  }
0x1b: {  	s13 =	smov.u32 @p2 s3;
	p2 =	sne.s32 s10, s7  }
.Ltmp1:
0x1c: {  	p1 =	slt.u32 s10, $0x2;
	(pc) =	sbr.rel @!p2 .LBB1_6-.Ltmp1, $4  }
0x1d: {  	s12 =	simm.s32 @!p1 $0x2  }
0x1e: {  	s14 =	sadd.s32 $0x1, s10;
	_ =	swait.ge @!p1 [sflag:s12], $0x2000  }
0x1f: {  	s11 =	smov.u32 s9;
	p0 =	por !p0, !p0;
	[sflag:s12] =	ssyncset.done @!p1 $0x0  }
0x20: {  	s10 =	smov.u32 s14;
	s9 =	smov.u32 s13;
	[sflag:s12] =	ssyncadd.s32 @!p1 $0xFFFFE000  }
.LBB1_1:
0x21: {  	p1 =	sge.u32 s10, s6  }
0x22: {  	s12 =	sand.u32 @!p1 $0x1FFFFFF, s9  }
0x23: {  	s13 =	smulhi.u32 @!p1 $0x147AE15, s12;
	_ =	sdelay $0x1  }
0x24: {  	s13 =	sshrl.u32 @!p1 s13, $0xD  }
0x25: {  	s13 =	smul.u32 @!p1 $0x190000, s13;
	_ =	sdelay $0x1  }
0x26: {  	s31 =	sadd.s32 $0xFFFFFFFF, s10;
	s14 =	sxor.u32 @!p1 $0xFFFFFFFF, s10;
	s12 =	ssub.s32 @!p1 s12, s13  }
0x27: {  	s15 =	simm.s32 @!p1 $0x80;
	s14 =	sshll.u32 @!p1 s14, $0xD;
	s12 =	sshll.u32 @!p1 s12, $0x4  }
0x28: {  	s13 =	sand.u32 @!p1 $0x2000, s14;
	s14 =	simm.s32 @!p1 $0x40;
	s12 =	sadd.s32 @!p1 s4, s12  }
0x29: {  	[tilespmem:s13], [sflag:$0x1] =	stream.strided.gather @!p1 [hbm4b:s12+s14], $0x2000, s15, s14, $0x38;
	[tilespmem:$0x8080] =	vst v63  }
0x2a: {  	p1 =	sge.u32 s31, s6  }
.Ltmp2:
0x2b: {  	_ = 	snop;
	(pc) =	sbr.rel @p1 .LBB1_5-.Ltmp2, $1  }
0x2c: {  	_ =	sdelay $0x3  }
0x2d: {  	s12 =	simm.s32 $0x1  }
0x2e: {  	_ =	swait.ge [sflag:s5], $0x2000;
	s12 =	simm.s32 @!p0 $0x0  }
0x2f: {  	[sflag:s5] =	ssyncset.done $0x0;
	s13 =	sshll.u32 s12, $0xD  }
0x30: {  	[sflag:s5] =	ssyncadd.s32 $0xFFFFE000;
	s16 =	sor.u32 $0x20, s13  }
0x31: {  	s12 =	smul.u32 $0x8100, s12;
	v3 =	vld [tilespmem:s16+$0x10]  }
0x32: {  	s30 =	sand.u32 $0x1, s10;
	v2 =	vld [tilespmem:s16+$0xFFFFFFF0]  }
0x33: {  	s13 =	smul.u32 $0x8100, s30;
	s12 =	sshrl.u32 s12, $0x2;
	v0 =	vld [tilespmem:s16+$0x0]  }
0x34: {  	v1 =	vld [tilespmem:s16+$0xFFFFFFE0];
	s14 =	sor.u32 $0x4000, s12  }
0x35: {  	s31 =	sshrl.u32 s13, $0x2;
	s13 =	sadd.s32 $0x0, s14  }
0x36: {  	s15 =	simm.s32 $0x4;
	s16 =	sadd.s32 $0x40, s16;
	s12 =	sor.u32 $0x4000, s31;
	[tilespmem:s13+$0x1830 ss:$0x81] =	vst.msk $0xffff, v3  }
.LBB1_3:
0x37: {  	v3 =	vld [tilespmem:s16+$0x10];
	p1 =	sne.s32 s15, $0x1FC;
	[tilespmem:s13+$0x810 ss:$0x81] =	vst.msk $0xffff, v2;
	s17 =	smov.u32 s15;
	s15 =	sadd.s32 $0x4, s15  }
.Ltmp3:
0x38: {  	v2 =	vld [tilespmem:s16+$0xFFFFFFF0];
	[tilespmem:s13+$0x1020 ss:$0x81] =	vst.msk $0xffff, v0;
	(pc) =	sbr.rel @p1 .LBB1_3-.Ltmp3, $4  }
0x39: {  	v0 =	vld [tilespmem:s16+$0x0];
	[tilespmem:s13+$0x0 ss:$0x81] =	vst.msk $0xffff, v1  }
0x3a: {  	s13 =	sshra.s32 s17, $0x2;
	v1 =	vld [tilespmem:s16+$0xFFFFFFE0]  }
0x3b: {  	s13 =	sadd.s32 s13, s14  }
0x3c: {  	s16 =	sadd.s32 $0x40, s16;
	[tilespmem:s13+$0x1830 ss:$0x81] =	vst.msk $0xffff, v3  }
.Ltmp4:
0x3d: {  	_ = 	snop;
	(pc) =	sbr.rel .LBB1_4-.Ltmp4, $1  }
0x3e: {  	_ =	sdelay $0x3  }
.LBB1_6:
0x3f: {  	_ =	sfence.sel $0x180000  }
0x40: {  	s2 =	simm.s32 $0x1;
	[bflag:$0x0] =	sbarrier.arrive $0xFFFF  }
0x41: {  	s31 =	simm.s32 $0x2;
	[sflag:s2] =	ssyncpa.u1 $0x1  }
0x42: {  	[sflag:s31] =	ssyncpa.u1 $0x1  }
0x43: {  	p0 =	sne.s32 s0, $0x0;
	_ =	strace $0x9000004A  }
0x44: {  	s0 =	sadd.s32 @!p0 $0x100000, s1;
	[bflag:$0x2] =	sbarrier.arrive $0xFFFF  }
0x45: {  	[sflag:s0] =	ssyncadd.tile.s32 @!p0 $0x1;
	_ =	shalt  }
.Lfunc_end1:
_tile_overlayer_lowered:
.L_overlay_start_2:
0x46: {  	(tag) =	ssettag $0x2  }
0x47: {  	s0 =	rddreg [dreg:$0x0];
	s2 =	stileid.u32  }
0x48: {  	s1 =	rddreg [dreg:$0x1];
	p0 =	sne.s32 s2, $0x0  }
0x49: {  	s3 =	rddreg [dreg:$0x2];
	[bflag:$0x3] =	sbarrier.arrive $0xFFFF;
	s2 =	simm.s32 @!p0 $0x1C01  }
0x4a: {  	[timem:s3], [sflag:s2] =	dma.local @!p0 [hbm:s0], s1  }
0x4b: {  	s0 =	simm.s32 @!p0 $0x1  }
0x4c: {  	_ =	swait.ge @!p0 [sflag:s0], s1  }
0x4d: {  	s1 =	ssub.s32 @!p0 $0x0, s1;
	[sflag:s0] =	ssyncset.done @!p0 $0x0  }
0x4e: {  	[sflag:s0] =	ssyncadd.s32 @!p0 s1  }
0x4f: {  	[bflag:$0x3] =	sbarrier.arrive $0xFFFF  }
0x50: {  	_ =	shalt  }

</sc_bundles>
